<compile_context>
chip_gen: v7x
topology: tpu7x:2x2x1
jax: 0.10.2.dev20260603
libtpu: 0.0.44.dev20260713+nightly
codegen_flags: <defaults>
</compile_context>

<pallas_src>
import functools

import jax
import jax.numpy as jnp
from jax import lax
from jax.experimental import pallas as pl
from jax.experimental.pallas import tpu as pltpu
from jax.experimental.pallas import tpu_sc as plsc

D = 64
NI = 4096
NJ = 200
NW = 32
C = 128
CP = C + 1

_mesh = plsc.VectorSubcoreMesh(core_axis_name="c", subcore_axis_name="s")

_TCB = 8192
_NE = 1_000_000
_HALF = _NE // 2
_SH = _HALF // _TCB
_A = _SH * _TCB


def _transpose_blk(wlo_ref, whi_ref, out_ref):
    out_ref[:, 0:D] = wlo_ref[...].T
    out_ref[:, D:2 * D] = whi_ref[...].T


_tc_transpose = pl.pallas_call(
    _transpose_blk,
    grid=(pl.cdiv(_HALF, _TCB),),
    in_specs=[
        pl.BlockSpec((D, _TCB), lambda i: (0, i)),
        pl.BlockSpec((D, _TCB), lambda i: (0, i + _SH)),
    ],
    out_specs=pl.BlockSpec((_TCB, 2 * D), lambda i: (i, 0)),
    out_shape=jax.ShapeDtypeStruct((_HALF, 2 * D), jnp.float32),
    compiler_params=pltpu.CompilerParams(
        dimension_semantics=("arbitrary",)),
)


def _packed_table(weight):
    wv = weight.T
    main = _tc_transpose(wv, wv)
    tail = wv[:, _A + _HALF:].T
    packed = lax.dynamic_update_slice(main, tail, (_A, 0))
    return packed.reshape(_NE, D)


def _remap(idx):
    i2 = idx * 2
    return jnp.where(
        idx < _A, i2,
        jnp.where(idx < 2 * _A + (_HALF - _A), i2 - (2 * _A - 1),
                  i2 - _NE))


@functools.partial(
    pl.kernel,
    mesh=_mesh,
    compiler_params=pltpu.CompilerParams(
        use_tc_tiling_on_sc=False, needs_layout_passes=False),
    out_type=jax.ShapeDtypeStruct((NJ, D // 8, NW, 8, C), jnp.float32),
    scratch_types=[
        pltpu.VMEM((NJ, C), jnp.int32),
        pltpu.VMEM((NJ, C), jnp.int32),
        pltpu.VMEM((C, D), jnp.float32),
        pltpu.VMEM((C, D), jnp.float32),
        pltpu.VMEM((C, D), jnp.float32),
        pltpu.VMEM((C, D), jnp.float32),
        pltpu.VMEM((D // 8, 8, CP), jnp.float32),
        pltpu.VMEM((D // 8, 8, CP), jnp.float32),
        pltpu.SemaphoreType.DMA,
        pltpu.SemaphoreType.DMA,
        pltpu.SemaphoreType.DMA,
        pltpu.SemaphoreType.DMA,
        pltpu.SemaphoreType.DMA,
        pltpu.SemaphoreType.DMA,
    ],
)
def _emb_add(x_hbm, c_hbm, w_hbm, out_hbm, ix_v, ic_v,
             gx0, gx1, gc0, gc1, tb0, tb1,
             sgx0, sgx1, sgc0, sgc1, ss0, ss1):
    wid = lax.axis_index("s") * 2 + lax.axis_index("c")
    gx = (gx0, gx1)
    gc = (gc0, gc1)
    tb = (tb0, tb1)
    sgx = (sgx0, sgx1)
    sgc = (sgc0, sgc1)
    ss = (ss0, ss1)
    iota = lax.iota(jnp.int32, 16)
    dr_idx = lax.bitwise_and(iota, jnp.full((16,), 7, jnp.int32))
    tr_base = lax.shift_right_logical(iota, jnp.full((16,), 3, jnp.int32))

    pltpu.sync_copy(x_hbm.at[wid], ix_v)
    pltpu.sync_copy(c_hbm.at[wid], ic_v)

    for b in range(2):
        pltpu.async_copy(w_hbm.at[ix_v.at[b]], gx[b], sgx[b])
        pltpu.async_copy(w_hbm.at[ic_v.at[b]], gc[b], sgc[b])

    def pair(k, carry):
        for b in range(2):
            j = 2 * k + b
            pltpu.make_async_copy(w_hbm.at[ix_v.at[j]], gx[b], sgx[b]).wait()
            pltpu.make_async_copy(w_hbm.at[ic_v.at[j]], gc[b], sgc[b]).wait()

            @pl.when(k > 0)
            def _():
                pltpu.make_async_copy(
                    tb[b].at[:, :, pl.ds(0, C)],
                    out_hbm.at[0, :, 0], ss[b]).wait()

            @plsc.parallel_loop(0, C, unroll=4)
            def _(i):
                coli = jnp.full((16,), i, jnp.int32)
                for d0 in range(D // 16):
                    sl = pl.ds(d0 * 16, 16)
                    v = gx[b][i, sl] + gc[b][i, sl]
                    plsc.store_scatter(
                        tb[b], [tr_base + (2 * d0), dr_idx, coli], v)

            @pl.when(j + 2 < NJ)
            def _():
                pltpu.async_copy(w_hbm.at[ix_v.at[j + 2]], gx[b], sgx[b])
                pltpu.async_copy(w_hbm.at[ic_v.at[j + 2]], gc[b], sgc[b])

            pltpu.async_copy(
                tb[b].at[:, :, pl.ds(0, C)],
                out_hbm.at[j, :, wid], ss[b])
        return carry

    lax.fori_loop(0, NJ // 2, pair, 0, unroll=False)

    for b in range(2):
        pltpu.make_async_copy(
            tb[b].at[:, :, pl.ds(0, C)],
            out_hbm.at[0, :, 0], ss[b]).wait()


def kernel(x, constant, weight):
    xt = _remap(x.astype(jnp.int32)).T.reshape(NJ, NW, C).transpose(1, 0, 2)
    ct = _remap(constant.astype(jnp.int32)).T.reshape(NJ, NW, C).transpose(1, 0, 2)
    res = _emb_add(xt, ct, _packed_table(weight))
    return res.transpose(2, 4, 0, 1, 3).reshape(NI, NJ, D)

# --- scband reference (transcript-rebuilt; emitter-appended) ---
"""Pipeline reference for scband-model-const-eval-pass-51745765982824 (READ-ONLY COPY).

The authoritative reference and input builder live on the scoring server;
editing this copy changes nothing except your own understanding.
"""

import jax, jax.numpy as jnp
import numpy as np

NUM_EMBEDDINGS = 1000000
EMBED_DIM = 64
SHAPE = (4096, 200)


def setup_inputs(seed: int = 0) -> dict:
    key = jax.random.key(seed)
    k_x, k_const, k_w = jax.random.split(key, 3)
    x = jax.random.randint(k_x, SHAPE, 0, NUM_EMBEDDINGS - 1, dtype=jnp.int32).astype(jnp.int64)
    constant = jax.random.randint(k_const, SHAPE, 0, NUM_EMBEDDINGS - 1, dtype=jnp.int32)
    weight = jax.random.uniform(k_w, (NUM_EMBEDDINGS, EMBED_DIM), dtype=jnp.float32)
    return {"x": x, "constant": constant, "weight": weight}


def reference(x, constant, weight):
    # v1 = embedding(constant); v2 = embedding(x); return v1 + v2
    v1 = jnp.take(weight, constant, axis=0)
    v2 = jnp.take(weight, x, axis=0)
    return v1 + v2

if __name__ == "__main__":
    import jax
    _d = setup_inputs()
    print(jax.jit(kernel)(*tuple(_d.values())))

</pallas_src>

<mosaic_0001>
#map = affine_map<(d0, d1) -> (0, 0, 0)>
#map1 = affine_map<(d0, d1) -> (0, 0)>
#map2 = affine_map<(d0, d1) -> (0, 0, 0, 0, 0)>
module attributes {stable_mosaic.version = 14 : i64} {
  func.func @_emb_add(%arg0: i32, %arg1: i32, %arg2: memref<32x200x128xi32, #tpu.memory_space<hbm>>, %arg3: memref<32x200x128xi32, #tpu.memory_space<hbm>>, %arg4: memref<1000000x64xf32, #tpu.memory_space<hbm>>, %arg5: memref<200x8x32x8x128xf32, #tpu.memory_space<hbm>>, %arg6: memref<200x128xi32, #tpu.memory_space<vmem>>, %arg7: memref<200x128xi32, #tpu.memory_space<vmem>>, %arg8: memref<128x64xf32, #tpu.memory_space<vmem>>, %arg9: memref<128x64xf32, #tpu.memory_space<vmem>>, %arg10: memref<128x64xf32, #tpu.memory_space<vmem>>, %arg11: memref<128x64xf32, #tpu.memory_space<vmem>>, %arg12: memref<8x8x129xf32, #tpu.memory_space<vmem>>, %arg13: memref<8x8x129xf32, #tpu.memory_space<vmem>>, %arg14: memref<!tpu.dma_semaphore, #tpu.memory_space<semaphore_mem>>, %arg15: memref<!tpu.dma_semaphore, #tpu.memory_space<semaphore_mem>>, %arg16: memref<!tpu.dma_semaphore, #tpu.memory_space<semaphore_mem>>, %arg17: memref<!tpu.dma_semaphore, #tpu.memory_space<semaphore_mem>>, %arg18: memref<!tpu.dma_semaphore, #tpu.memory_space<semaphore_mem>>, %arg19: memref<!tpu.dma_semaphore, #tpu.memory_space<semaphore_mem>>) attributes {dimension_semantics = [#tpu.dimension_semantics<core_parallel>, #tpu.dimension_semantics<subcore_parallel>], iteration_bounds = array<i64: 2, 16>, scalar_prefetch = 0 : i64, scratch_operands = 14 : i64, tpu.core_type = #tpu.core_type<sc_vector_subcore>, window_params = [{transform_indices = #map}, {transform_indices = #map}, {transform_indices = #map1}, {transform_indices = #map2}]} {
    %mul3A = arith.constant 2 : i32
    %mul3A_0 = arith.muli %arg1, %mul3A : i32
    %add3A = arith.addi %mul3A_0, %arg0 : i32
    %iota3A = tpu.iota {dimensions = array<i32: 0>} : vector<16xi32>
    %broadcast_in_dim3A = arith.constant 7 : i32
    %broadcast_in_dim3A_1 = vector.broadcast %broadcast_in_dim3A : i32 to vector<16xi32>
    %and3A = arith.andi %iota3A, %broadcast_in_dim3A_1 : vector<16xi32>
    %broadcast_in_dim3A_2 = arith.constant 3 : i32
    %broadcast_in_dim3A_3 = vector.broadcast %broadcast_in_dim3A_2 : i32 to vector<16xi32>
    %shift_right_logical3A = arith.shrui %iota3A, %broadcast_in_dim3A_3 : vector<16xi32>
    "tpu.region"() ({
      %run_scoped3A = tpu.sem_alloc : memref<!tpu.dma_semaphore, #tpu.memory_space<semaphore_mem>>
      %dma_start3A_75 = arith.constant 0 : i32
      %dma_start3A_76 = arith.constant 0 : i32
      %dma_start3A_77 = tpu.memref_slice %arg2[%add3A, %dma_start3A_75, %dma_start3A_76] : memref<32x200x128xi32, #tpu.memory_space<hbm>> -> memref<1x200x128xi32, #tpu.memory_space<hbm>>
      %dma_start3A_78 = tpu.memref_squeeze %dma_start3A_77 : memref<1x200x128xi32, #tpu.memory_space<hbm>> -> memref<200x128xi32, #tpu.memory_space<hbm>>
      %dma_start3A_79 = arith.constant 0 : i32
      %dma_start3A_80 = arith.constant 0 : i32
      %dma_start3A_81 = tpu.memref_slice %arg2[%add3A, %dma_start3A_79, %dma_start3A_80] : memref<32x200x128xi32, #tpu.memory_space<hbm>> -> memref<1x200x128xi32, #tpu.memory_space<hbm>>
      %dma_start3A_82 = tpu.memref_squeeze %dma_start3A_81 : memref<1x200x128xi32, #tpu.memory_space<hbm>> -> memref<200x128xi32, #tpu.memory_space<hbm>>
      tpu.enqueue_dma source(%dma_start3A_82 : memref<200x128xi32, #tpu.memory_space<hbm>>) target(%arg6 : memref<200x128xi32, #tpu.memory_space<vmem>>) target_semaphore(%run_scoped3A : memref<!tpu.dma_semaphore, #tpu.memory_space<semaphore_mem>>)
      %dma_wait3A_83 = arith.constant 0 : i32
      %dma_wait3A_84 = arith.constant 0 : i32
      %dma_wait3A_85 = tpu.memref_slice %arg2[%add3A, %dma_wait3A_83, %dma_wait3A_84] : memref<32x200x128xi32, #tpu.memory_space<hbm>> -> memref<1x200x128xi32, #tpu.memory_space<hbm>>
      %dma_wait3A_86 = tpu.memref_squeeze %dma_wait3A_85 : memref<1x200x128xi32, #tpu.memory_space<hbm>> -> memref<200x128xi32, #tpu.memory_space<hbm>>
      %dma_wait3A_87 = arith.constant 0 : i32
      %dma_wait3A_88 = arith.constant 0 : i32
      %dma_wait3A_89 = tpu.memref_slice %arg2[%add3A, %dma_wait3A_87, %dma_wait3A_88] : memref<32x200x128xi32, #tpu.memory_space<hbm>> -> memref<1x200x128xi32, #tpu.memory_space<hbm>>
      %dma_wait3A_90 = tpu.memref_squeeze %dma_wait3A_89 : memref<1x200x128xi32, #tpu.memory_space<hbm>> -> memref<200x128xi32, #tpu.memory_space<hbm>>
      tpu.wait_dma2 semaphore(%run_scoped3A : memref<!tpu.dma_semaphore, #tpu.memory_space<semaphore_mem>>) src(%dma_wait3A_90 : memref<200x128xi32, #tpu.memory_space<hbm>>) dst(%arg6 : memref<200x128xi32, #tpu.memory_space<vmem>>)
      tpu.yield
    }) : () -> ()
    "tpu.region"() ({
      %run_scoped3A = tpu.sem_alloc : memref<!tpu.dma_semaphore, #tpu.memory_space<semaphore_mem>>
      %dma_start3A_75 = arith.constant 0 : i32
      %dma_start3A_76 = arith.constant 0 : i32
      %dma_start3A_77 = tpu.memref_slice %arg3[%add3A, %dma_start3A_75, %dma_start3A_76] : memref<32x200x128xi32, #tpu.memory_space<hbm>> -> memref<1x200x128xi32, #tpu.memory_space<hbm>>
      %dma_start3A_78 = tpu.memref_squeeze %dma_start3A_77 : memref<1x200x128xi32, #tpu.memory_space<hbm>> -> memref<200x128xi32, #tpu.memory_space<hbm>>
      %dma_start3A_79 = arith.constant 0 : i32
      %dma_start3A_80 = arith.constant 0 : i32
      %dma_start3A_81 = tpu.memref_slice %arg3[%add3A, %dma_start3A_79, %dma_start3A_80] : memref<32x200x128xi32, #tpu.memory_space<hbm>> -> memref<1x200x128xi32, #tpu.memory_space<hbm>>
      %dma_start3A_82 = tpu.memref_squeeze %dma_start3A_81 : memref<1x200x128xi32, #tpu.memory_space<hbm>> -> memref<200x128xi32, #tpu.memory_space<hbm>>
      tpu.enqueue_dma source(%dma_start3A_82 : memref<200x128xi32, #tpu.memory_space<hbm>>) target(%arg7 : memref<200x128xi32, #tpu.memory_space<vmem>>) target_semaphore(%run_scoped3A : memref<!tpu.dma_semaphore, #tpu.memory_space<semaphore_mem>>)
      %dma_wait3A_83 = arith.constant 0 : i32
      %dma_wait3A_84 = arith.constant 0 : i32
      %dma_wait3A_85 = tpu.memref_slice %arg3[%add3A, %dma_wait3A_83, %dma_wait3A_84] : memref<32x200x128xi32, #tpu.memory_space<hbm>> -> memref<1x200x128xi32, #tpu.memory_space<hbm>>
      %dma_wait3A_86 = tpu.memref_squeeze %dma_wait3A_85 : memref<1x200x128xi32, #tpu.memory_space<hbm>> -> memref<200x128xi32, #tpu.memory_space<hbm>>
      %dma_wait3A_87 = arith.constant 0 : i32
      %dma_wait3A_88 = arith.constant 0 : i32
      %dma_wait3A_89 = tpu.memref_slice %arg3[%add3A, %dma_wait3A_87, %dma_wait3A_88] : memref<32x200x128xi32, #tpu.memory_space<hbm>> -> memref<1x200x128xi32, #tpu.memory_space<hbm>>
      %dma_wait3A_90 = tpu.memref_squeeze %dma_wait3A_89 : memref<1x200x128xi32, #tpu.memory_space<hbm>> -> memref<200x128xi32, #tpu.memory_space<hbm>>
      tpu.wait_dma2 semaphore(%run_scoped3A : memref<!tpu.dma_semaphore, #tpu.memory_space<semaphore_mem>>) src(%dma_wait3A_90 : memref<200x128xi32, #tpu.memory_space<hbm>>) dst(%arg7 : memref<200x128xi32, #tpu.memory_space<vmem>>)
      tpu.yield
    }) : () -> ()
    %dma_start3A = arith.constant 0 : i32
    %dma_start3A_4 = arith.constant 0 : i32
    %dma_start3A_5 = tpu.memref_slice %arg6[%dma_start3A, %dma_start3A_4] : memref<200x128xi32, #tpu.memory_space<vmem>> -> memref<1x128xi32, #tpu.memory_space<vmem>>
    %dma_start3A_6 = tpu.memref_squeeze %dma_start3A_5 : memref<1x128xi32, #tpu.memory_space<vmem>> -> memref<128xi32, #tpu.memory_space<vmem>>
    %dma_start3A_7 = arith.constant 0 : i32
    %dma_start3A_8 = arith.constant 0 : i32
    %dma_start3A_9 = tpu.memref_slice %arg4[%dma_start3A_7, %dma_start3A_8] : memref<1000000x64xf32, #tpu.memory_space<hbm>> -> memref<1000000x64xf32, #tpu.memory_space<hbm>>
    tpu.enqueue_indirect_dma source(%dma_start3A_9 : memref<1000000x64xf32, #tpu.memory_space<hbm>>) target(%arg8 : memref<128x64xf32, #tpu.memory_space<vmem>>) offsets(%dma_start3A_6 : memref<128xi32, #tpu.memory_space<vmem>>) semaphore(%arg14 : memref<!tpu.dma_semaphore, #tpu.memory_space<semaphore_mem>>)
    %dma_start3A_10 = arith.constant 0 : i32
    %dma_start3A_11 = arith.constant 0 : i32
    %dma_start3A_12 = tpu.memref_slice %arg7[%dma_start3A_10, %dma_start3A_11] : memref<200x128xi32, #tpu.memory_space<vmem>> -> memref<1x128xi32, #tpu.memory_space<vmem>>
    %dma_start3A_13 = tpu.memref_squeeze %dma_start3A_12 : memref<1x128xi32, #tpu.memory_space<vmem>> -> memref<128xi32, #tpu.memory_space<vmem>>
    %dma_start3A_14 = arith.constant 0 : i32
    %dma_start3A_15 = arith.constant 0 : i32
    %dma_start3A_16 = tpu.memref_slice %arg4[%dma_start3A_14, %dma_start3A_15] : memref<1000000x64xf32, #tpu.memory_space<hbm>> -> memref<1000000x64xf32, #tpu.memory_space<hbm>>
    tpu.enqueue_indirect_dma source(%dma_start3A_16 : memref<1000000x64xf32, #tpu.memory_space<hbm>>) target(%arg10 : memref<128x64xf32, #tpu.memory_space<vmem>>) offsets(%dma_start3A_13 : memref<128xi32, #tpu.memory_space<vmem>>) semaphore(%arg16 : memref<!tpu.dma_semaphore, #tpu.memory_space<semaphore_mem>>)
    %dma_start3A_17 = arith.constant 1 : i32
    %dma_start3A_18 = arith.constant 0 : i32
    %dma_start3A_19 = tpu.memref_slice %arg6[%dma_start3A_17, %dma_start3A_18] : memref<200x128xi32, #tpu.memory_space<vmem>> -> memref<1x128xi32, #tpu.memory_space<vmem>>
    %dma_start3A_20 = tpu.memref_squeeze %dma_start3A_19 : memref<1x128xi32, #tpu.memory_space<vmem>> -> memref<128xi32, #tpu.memory_space<vmem>>
    %dma_start3A_21 = arith.constant 0 : i32
    %dma_start3A_22 = arith.constant 0 : i32
    %dma_start3A_23 = tpu.memref_slice %arg4[%dma_start3A_21, %dma_start3A_22] : memref<1000000x64xf32, #tpu.memory_space<hbm>> -> memref<1000000x64xf32, #tpu.memory_space<hbm>>
    tpu.enqueue_indirect_dma source(%dma_start3A_23 : memref<1000000x64xf32, #tpu.memory_space<hbm>>) target(%arg9 : memref<128x64xf32, #tpu.memory_space<vmem>>) offsets(%dma_start3A_20 : memref<128xi32, #tpu.memory_space<vmem>>) semaphore(%arg15 : memref<!tpu.dma_semaphore, #tpu.memory_space<semaphore_mem>>)
    %dma_start3A_24 = arith.constant 1 : i32
    %dma_start3A_25 = arith.constant 0 : i32
    %dma_start3A_26 = tpu.memref_slice %arg7[%dma_start3A_24, %dma_start3A_25] : memref<200x128xi32, #tpu.memory_space<vmem>> -> memref<1x128xi32, #tpu.memory_space<vmem>>
    %dma_start3A_27 = tpu.memref_squeeze %dma_start3A_26 : memref<1x128xi32, #tpu.memory_space<vmem>> -> memref<128xi32, #tpu.memory_space<vmem>>
    %dma_start3A_28 = arith.constant 0 : i32
    %dma_start3A_29 = arith.constant 0 : i32
    %dma_start3A_30 = tpu.memref_slice %arg4[%dma_start3A_28, %dma_start3A_29] : memref<1000000x64xf32, #tpu.memory_space<hbm>> -> memref<1000000x64xf32, #tpu.memory_space<hbm>>
    tpu.enqueue_indirect_dma source(%dma_start3A_30 : memref<1000000x64xf32, #tpu.memory_space<hbm>>) target(%arg11 : memref<128x64xf32, #tpu.memory_space<vmem>>) offsets(%dma_start3A_27 : memref<128xi32, #tpu.memory_space<vmem>>) semaphore(%arg17 : memref<!tpu.dma_semaphore, #tpu.memory_space<semaphore_mem>>)
    %scan3A = arith.constant 0 : i32
    %scan3A_31 = arith.constant 0 : i32
    %scan3A_32 = arith.constant 100 : i32
    %scan3A_33 = arith.addi %scan3A_31, %scan3A_32 : i32
    %scan3A_34 = arith.constant 1 : i32
    scf.for %scan3A_75 = %scan3A_31 to %scan3A_33 step %scan3A_34  : i32 {
      %mul3A_76 = arith.constant 2 : i32
      %mul3A_77 = arith.muli %mul3A_76, %scan3A_75 : i32
      %add3A_78 = arith.constant 0 : i32
      %add3A_79 = arith.addi %mul3A_77, %add3A_78 : i32
      %dma_wait3A_80 = arith.constant 0 : i32
      %dma_wait3A_81 = tpu.memref_slice %arg6[%add3A_79, %dma_wait3A_80] : memref<200x128xi32, #tpu.memory_space<vmem>> -> memref<1x128xi32, #tpu.memory_space<vmem>>
      %dma_wait3A_82 = tpu.memref_squeeze %dma_wait3A_81 : memref<1x128xi32, #tpu.memory_space<vmem>> -> memref<128xi32, #tpu.memory_space<vmem>>
      %dma_wait3A_83 = arith.constant 0 : i32
      %dma_wait3A_84 = arith.constant 0 : i32
      %dma_wait3A_85 = tpu.memref_slice %arg4[%dma_wait3A_83, %dma_wait3A_84] : memref<1000000x64xf32, #tpu.memory_space<hbm>> -> memref<1000000x64xf32, #tpu.memory_space<hbm>>
      tpu.wait_indirect_dma semaphore(%arg14 : memref<!tpu.dma_semaphore, #tpu.memory_space<semaphore_mem>>) src(%dma_wait3A_85 : memref<1000000x64xf32, #tpu.memory_space<hbm>>) dst(%arg8 : memref<128x64xf32, #tpu.memory_space<vmem>>)
      %dma_wait3A_86 = arith.constant 0 : i32
      %dma_wait3A_87 = tpu.memref_slice %arg7[%add3A_79, %dma_wait3A_86] : memref<200x128xi32, #tpu.memory_space<vmem>> -> memref<1x128xi32, #tpu.memory_space<vmem>>
      %dma_wait3A_88 = tpu.memref_squeeze %dma_wait3A_87 : memref<1x128xi32, #tpu.memory_space<vmem>> -> memref<128xi32, #tpu.memory_space<vmem>>
      %dma_wait3A_89 = arith.constant 0 : i32
      %dma_wait3A_90 = arith.constant 0 : i32
      %dma_wait3A_91 = tpu.memref_slice %arg4[%dma_wait3A_89, %dma_wait3A_90] : memref<1000000x64xf32, #tpu.memory_space<hbm>> -> memref<1000000x64xf32, #tpu.memory_space<hbm>>
      tpu.wait_indirect_dma semaphore(%arg16 : memref<!tpu.dma_semaphore, #tpu.memory_space<semaphore_mem>>) src(%dma_wait3A_91 : memref<1000000x64xf32, #tpu.memory_space<hbm>>) dst(%arg10 : memref<128x64xf32, #tpu.memory_space<vmem>>)
      %gt3A = arith.constant 0 : i32
      %gt3A_92 = arith.cmpi sgt, %scan3A_75, %gt3A : i32
      %convert_element_type3A = arith.extui %gt3A_92 : i1 to i32
      %cond3A = arith.constant 0 : i32
      %cond3A_93 = arith.cmpi ne, %convert_element_type3A, %cond3A : i32
      scf.if %cond3A_93 {
        %dma_wait3A_169 = arith.constant 0 : i32
        %dma_wait3A_170 = arith.constant 0 : i32
        %dma_wait3A_171 = arith.constant 0 : i32
        %dma_wait3A_172 = arith.constant 0 : i32
        %dma_wait3A_173 = arith.constant 0 : i32
        %dma_wait3A_174 = tpu.memref_slice %arg12[%dma_wait3A_171, %dma_wait3A_172, %dma_wait3A_173] : memref<8x8x129xf32, #tpu.memory_space<vmem>> -> memref<8x8x128xf32, #tpu.memory_space<vmem>>
        %dma_wait3A_175 = arith.constant 0 : i32
        %dma_wait3A_176 = arith.constant 0 : i32
        %dma_wait3A_177 = arith.constant 0 : i32
        %dma_wait3A_178 = tpu.memref_slice %arg5[%dma_wait3A_169, %dma_wait3A_175, %dma_wait3A_170, %dma_wait3A_176, %dma_wait3A_177] : memref<200x8x32x8x128xf32, #tpu.memory_space<hbm>> -> memref<1x8x1x8x128xf32, #tpu.memory_space<hbm>>
        %dma_wait3A_179 = tpu.memref_squeeze %dma_wait3A_178 : memref<1x8x1x8x128xf32, #tpu.memory_space<hbm>> -> memref<8x8x128xf32, #tpu.memory_space<hbm>>
        %dma_wait3A_180 = arith.constant 0 : i32
        %dma_wait3A_181 = arith.constant 0 : i32
        %dma_wait3A_182 = arith.constant 0 : i32
        %dma_wait3A_183 = tpu.memref_slice %arg5[%dma_wait3A_169, %dma_wait3A_180, %dma_wait3A_170, %dma_wait3A_181, %dma_wait3A_182] : memref<200x8x32x8x128xf32, #tpu.memory_space<hbm>> -> memref<1x8x1x8x128xf32, #tpu.memory_space<hbm>>
        %dma_wait3A_184 = tpu.memref_squeeze %dma_wait3A_183 : memref<1x8x1x8x128xf32, #tpu.memory_space<hbm>> -> memref<8x8x128xf32, #tpu.memory_space<hbm>>
        %dma_wait3A_185 = arith.constant 0 : i32
        %dma_wait3A_186 = arith.constant 0 : i32
        %dma_wait3A_187 = arith.constant 0 : i32
        %dma_wait3A_188 = tpu.memref_slice %arg12[%dma_wait3A_185, %dma_wait3A_186, %dma_wait3A_187] : memref<8x8x129xf32, #tpu.memory_space<vmem>> -> memref<8x8x128xf32, #tpu.memory_space<vmem>>
        tpu.wait_dma2 semaphore(%arg18 : memref<!tpu.dma_semaphore, #tpu.memory_space<semaphore_mem>>) src(%dma_wait3A_188 : memref<8x8x128xf32, #tpu.memory_space<vmem>>) dst(%dma_wait3A_184 : memref<8x8x128xf32, #tpu.memory_space<hbm>>)
      } else {
      }
      %parallel_loop3A = arith.constant 0 : i32
      %parallel_loop3A_94 = arith.constant 128 : i32
      %parallel_loop3A_95 = arith.constant 1 : i32
      scf.for %parallel_loop3A_169 = %parallel_loop3A to %parallel_loop3A_94 step %parallel_loop3A_95  : i32 {
        %parallel_loop3A_170 = vector.broadcast %parallel_loop3A_169 : i32 to vector<16xi32>
        %parallel_loop3A_171 = arith.index_cast %parallel_loop3A_169 : i32 to index
        %parallel_loop3A_172 = arith.constant 0 : index
        %parallel_loop3A_173 = tpu.vector_load %arg8[%parallel_loop3A_171, %parallel_loop3A_172] {strides = array<i32>} : memref<128x64xf32, #tpu.memory_space<vmem>>, vector<16xf32>,
        %parallel_loop3A_174 = arith.index_cast %parallel_loop3A_169 : i32 to index
        %parallel_loop3A_175 = arith.constant 0 : index
        %parallel_loop3A_176 = tpu.vector_load %arg10[%parallel_loop3A_174, %parallel_loop3A_175] {strides = array<i32>} : memref<128x64xf32, #tpu.memory_space<vmem>>, vector<16xf32>,
        %parallel_loop3A_177 = arith.addf %parallel_loop3A_173, %parallel_loop3A_176 : vector<16xf32>
        %parallel_loop3A_178 = arith.constant 0 : i32
        %parallel_loop3A_179 = vector.broadcast %parallel_loop3A_178 : i32 to vector<16xi32>
        %parallel_loop3A_180 = arith.addi %shift_right_logical3A, %parallel_loop3A_179 : vector<16xi32>
        tpu.vector_store_idx %arg12[%parallel_loop3A_180, %and3A, %parallel_loop3A_170], %parallel_loop3A_177 : memref<8x8x129xf32, #tpu.memory_space<vmem>>[vector<16xi32>, vector<16xi32>, vector<16xi32>], vector<16xf32>,
        %parallel_loop3A_181 = arith.index_cast %parallel_loop3A_169 : i32 to index
        %parallel_loop3A_182 = arith.constant 16 : index
        %parallel_loop3A_183 = tpu.vector_load %arg8[%parallel_loop3A_181, %parallel_loop3A_182] {strides = array<i32>} : memref<128x64xf32, #tpu.memory_space<vmem>>, vector<16xf32>,
        %parallel_loop3A_184 = arith.index_cast %parallel_loop3A_169 : i32 to index
        %parallel_loop3A_185 = arith.constant 16 : index
        %parallel_loop3A_186 = tpu.vector_load %arg10[%parallel_loop3A_184, %parallel_loop3A_185] {strides = array<i32>} : memref<128x64xf32, #tpu.memory_space<vmem>>, vector<16xf32>,
        %parallel_loop3A_187 = arith.addf %parallel_loop3A_183, %parallel_loop3A_186 : vector<16xf32>
        %parallel_loop3A_188 = arith.constant 2 : i32
        %parallel_loop3A_189 = vector.broadcast %parallel_loop3A_188 : i32 to vector<16xi32>
        %parallel_loop3A_190 = arith.addi %shift_right_logical3A, %parallel_loop3A_189 : vector<16xi32>
        tpu.vector_store_idx %arg12[%parallel_loop3A_190, %and3A, %parallel_loop3A_170], %parallel_loop3A_187 : memref<8x8x129xf32, #tpu.memory_space<vmem>>[vector<16xi32>, vector<16xi32>, vector<16xi32>], vector<16xf32>,
        %parallel_loop3A_191 = arith.index_cast %parallel_loop3A_169 : i32 to index
        %parallel_loop3A_192 = arith.constant 32 : index
        %parallel_loop3A_193 = tpu.vector_load %arg8[%parallel_loop3A_191, %parallel_loop3A_192] {strides = array<i32>} : memref<128x64xf32, #tpu.memory_space<vmem>>, vector<16xf32>,
        %parallel_loop3A_194 = arith.index_cast %parallel_loop3A_169 : i32 to index
        %parallel_loop3A_195 = arith.constant 32 : index
        %parallel_loop3A_196 = tpu.vector_load %arg10[%parallel_loop3A_194, %parallel_loop3A_195] {strides = array<i32>} : memref<128x64xf32, #tpu.memory_space<vmem>>, vector<16xf32>,
        %parallel_loop3A_197 = arith.addf %parallel_loop3A_193, %parallel_loop3A_196 : vector<16xf32>
        %parallel_loop3A_198 = arith.constant 4 : i32
        %parallel_loop3A_199 = vector.broadcast %parallel_loop3A_198 : i32 to vector<16xi32>
        %parallel_loop3A_200 = arith.addi %shift_right_logical3A, %parallel_loop3A_199 : vector<16xi32>
        tpu.vector_store_idx %arg12[%parallel_loop3A_200, %and3A, %parallel_loop3A_170], %parallel_loop3A_197 : memref<8x8x129xf32, #tpu.memory_space<vmem>>[vector<16xi32>, vector<16xi32>, vector<16xi32>], vector<16xf32>,
        %parallel_loop3A_201 = arith.index_cast %parallel_loop3A_169 : i32 to index
        %parallel_loop3A_202 = arith.constant 48 : index
        %parallel_loop3A_203 = tpu.vector_load %arg8[%parallel_loop3A_201, %parallel_loop3A_202] {strides = array<i32>} : memref<128x64xf32, #tpu.memory_space<vmem>>, vector<16xf32>,
        %parallel_loop3A_204 = arith.index_cast %parallel_loop3A_169 : i32 to index
        %parallel_loop3A_205 = arith.constant 48 : index
        %parallel_loop3A_206 = tpu.vector_load %arg10[%parallel_loop3A_204, %parallel_loop3A_205] {strides = array<i32>} : memref<128x64xf32, #tpu.memory_space<vmem>>, vector<16xf32>,
        %parallel_loop3A_207 = arith.addf %parallel_loop3A_203, %parallel_loop3A_206 : vector<16xf32>
        %parallel_loop3A_208 = arith.constant 6 : i32
        %parallel_loop3A_209 = vector.broadcast %parallel_loop3A_208 : i32 to vector<16xi32>
        %parallel_loop3A_210 = arith.addi %shift_right_logical3A, %parallel_loop3A_209 : vector<16xi32>
        tpu.vector_store_idx %arg12[%parallel_loop3A_210, %and3A, %parallel_loop3A_170], %parallel_loop3A_207 : memref<8x8x129xf32, #tpu.memory_space<vmem>>[vector<16xi32>, vector<16xi32>, vector<16xi32>], vector<16xf32>,
      } {sc.loop_unroll_factor = 4 : i64, sc.parallel_access}
      %add3A_96 = arith.constant 2 : i32
      %add3A_97 = arith.addi %add3A_79, %add3A_96 : i32
      %lt3A = arith.constant 200 : i32
      %lt3A_98 = arith.cmpi slt, %add3A_97, %lt3A : i32
      %convert_element_type3A_99 = arith.extui %lt3A_98 : i1 to i32
      %cond3A_100 = arith.constant 0 : i32
      %cond3A_101 = arith.cmpi ne, %convert_element_type3A_99, %cond3A_100 : i32
      scf.if %cond3A_101 {
        %add3A_169 = arith.constant 2 : i32
        %add3A_170 = arith.addi %add3A_79, %add3A_169 : i32
        %dma_start3A_171 = arith.constant 0 : i32
        %dma_start3A_172 = tpu.memref_slice %arg6[%add3A_170, %dma_start3A_171] : memref<200x128xi32, #tpu.memory_space<vmem>> -> memref<1x128xi32, #tpu.memory_space<vmem>>
        %dma_start3A_173 = tpu.memref_squeeze %dma_start3A_172 : memref<1x128xi32, #tpu.memory_space<vmem>> -> memref<128xi32, #tpu.memory_space<vmem>>
        %dma_start3A_174 = arith.constant 0 : i32
        %dma_start3A_175 = arith.constant 0 : i32
        %dma_start3A_176 = tpu.memref_slice %arg4[%dma_start3A_174, %dma_start3A_175] : memref<1000000x64xf32, #tpu.memory_space<hbm>> -> memref<1000000x64xf32, #tpu.memory_space<hbm>>
        tpu.enqueue_indirect_dma source(%dma_start3A_176 : memref<1000000x64xf32, #tpu.memory_space<hbm>>) target(%arg8 : memref<128x64xf32, #tpu.memory_space<vmem>>) offsets(%dma_start3A_173 : memref<128xi32, #tpu.memory_space<vmem>>) semaphore(%arg14 : memref<!tpu.dma_semaphore, #tpu.memory_space<semaphore_mem>>)
        %add3A_177 = arith.constant 2 : i32
        %add3A_178 = arith.addi %add3A_79, %add3A_177 : i32
        %dma_start3A_179 = arith.constant 0 : i32
        %dma_start3A_180 = tpu.memref_slice %arg7[%add3A_178, %dma_start3A_179] : memref<200x128xi32, #tpu.memory_space<vmem>> -> memref<1x128xi32, #tpu.memory_space<vmem>>
        %dma_start3A_181 = tpu.memref_squeeze %dma_start3A_180 : memref<1x128xi32, #tpu.memory_space<vmem>> -> memref<128xi32, #tpu.memory_space<vmem>>
        %dma_start3A_182 = arith.constant 0 : i32
        %dma_start3A_183 = arith.constant 0 : i32
        %dma_start3A_184 = tpu.memref_slice %arg4[%dma_start3A_182, %dma_start3A_183] : memref<1000000x64xf32, #tpu.memory_space<hbm>> -> memref<1000000x64xf32, #tpu.memory_space<hbm>>
        tpu.enqueue_indirect_dma source(%dma_start3A_184 : memref<1000000x64xf32, #tpu.memory_space<hbm>>) target(%arg10 : memref<128x64xf32, #tpu.memory_space<vmem>>) offsets(%dma_start3A_181 : memref<128xi32, #tpu.memory_space<vmem>>) semaphore(%arg16 : memref<!tpu.dma_semaphore, #tpu.memory_space<semaphore_mem>>)
      } else {
      }
      %dma_start3A_102 = arith.constant 0 : i32
      %dma_start3A_103 = arith.constant 0 : i32
      %dma_start3A_104 = arith.constant 0 : i32
      %dma_start3A_105 = tpu.memref_slice %arg12[%dma_start3A_102, %dma_start3A_103, %dma_start3A_104] : memref<8x8x129xf32, #tpu.memory_space<vmem>> -> memref<8x8x128xf32, #tpu.memory_space<vmem>>
      %dma_start3A_106 = arith.constant 0 : i32
      %dma_start3A_107 = arith.constant 0 : i32
      %dma_start3A_108 = arith.constant 0 : i32
      %dma_start3A_109 = tpu.memref_slice %arg5[%add3A_79, %dma_start3A_106, %add3A, %dma_start3A_107, %dma_start3A_108] : memref<200x8x32x8x128xf32, #tpu.memory_space<hbm>> -> memref<1x8x1x8x128xf32, #tpu.memory_space<hbm>>
      %dma_start3A_110 = tpu.memref_squeeze %dma_start3A_109 : memref<1x8x1x8x128xf32, #tpu.memory_space<hbm>> -> memref<8x8x128xf32, #tpu.memory_space<hbm>>
      %dma_start3A_111 = arith.constant 0 : i32
      %dma_start3A_112 = arith.constant 0 : i32
      %dma_start3A_113 = arith.constant 0 : i32
      %dma_start3A_114 = tpu.memref_slice %arg5[%add3A_79, %dma_start3A_111, %add3A, %dma_start3A_112, %dma_start3A_113] : memref<200x8x32x8x128xf32, #tpu.memory_space<hbm>> -> memref<1x8x1x8x128xf32, #tpu.memory_space<hbm>>
      %dma_start3A_115 = tpu.memref_squeeze %dma_start3A_114 : memref<1x8x1x8x128xf32, #tpu.memory_space<hbm>> -> memref<8x8x128xf32, #tpu.memory_space<hbm>>
      %dma_start3A_116 = arith.constant 0 : i32
      %dma_start3A_117 = arith.constant 0 : i32
      %dma_start3A_118 = arith.constant 0 : i32
      %dma_start3A_119 = tpu.memref_slice %arg12[%dma_start3A_116, %dma_start3A_117, %dma_start3A_118] : memref<8x8x129xf32, #tpu.memory_space<vmem>> -> memref<8x8x128xf32, #tpu.memory_space<vmem>>
      tpu.enqueue_dma source(%dma_start3A_119 : memref<8x8x128xf32, #tpu.memory_space<vmem>>) target(%dma_start3A_115 : memref<8x8x128xf32, #tpu.memory_space<hbm>>) target_semaphore(%arg18 : memref<!tpu.dma_semaphore, #tpu.memory_space<semaphore_mem>>)
      %mul3A_120 = arith.constant 2 : i32
      %mul3A_121 = arith.muli %mul3A_120, %scan3A_75 : i32
      %add3A_122 = arith.constant 1 : i32
      %add3A_123 = arith.addi %mul3A_121, %add3A_122 : i32
      %dma_wait3A_124 = arith.constant 0 : i32
      %dma_wait3A_125 = tpu.memref_slice %arg6[%add3A_123, %dma_wait3A_124] : memref<200x128xi32, #tpu.memory_space<vmem>> -> memref<1x128xi32, #tpu.memory_space<vmem>>
      %dma_wait3A_126 = tpu.memref_squeeze %dma_wait3A_125 : memref<1x128xi32, #tpu.memory_space<vmem>> -> memref<128xi32, #tpu.memory_space<vmem>>
      %dma_wait3A_127 = arith.constant 0 : i32
      %dma_wait3A_128 = arith.constant 0 : i32
      %dma_wait3A_129 = tpu.memref_slice %arg4[%dma_wait3A_127, %dma_wait3A_128] : memref<1000000x64xf32, #tpu.memory_space<hbm>> -> memref<1000000x64xf32, #tpu.memory_space<hbm>>
      tpu.wait_indirect_dma semaphore(%arg15 : memref<!tpu.dma_semaphore, #tpu.memory_space<semaphore_mem>>) src(%dma_wait3A_129 : memref<1000000x64xf32, #tpu.memory_space<hbm>>) dst(%arg9 : memref<128x64xf32, #tpu.memory_space<vmem>>)
      %dma_wait3A_130 = arith.constant 0 : i32
      %dma_wait3A_131 = tpu.memref_slice %arg7[%add3A_123, %dma_wait3A_130] : memref<200x128xi32, #tpu.memory_space<vmem>> -> memref<1x128xi32, #tpu.memory_space<vmem>>
      %dma_wait3A_132 = tpu.memref_squeeze %dma_wait3A_131 : memref<1x128xi32, #tpu.memory_space<vmem>> -> memref<128xi32, #tpu.memory_space<vmem>>
      %dma_wait3A_133 = arith.constant 0 : i32
      %dma_wait3A_134 = arith.constant 0 : i32
      %dma_wait3A_135 = tpu.memref_slice %arg4[%dma_wait3A_133, %dma_wait3A_134] : memref<1000000x64xf32, #tpu.memory_space<hbm>> -> memref<1000000x64xf32, #tpu.memory_space<hbm>>
      tpu.wait_indirect_dma semaphore(%arg17 : memref<!tpu.dma_semaphore, #tpu.memory_space<semaphore_mem>>) src(%dma_wait3A_135 : memref<1000000x64xf32, #tpu.memory_space<hbm>>) dst(%arg11 : memref<128x64xf32, #tpu.memory_space<vmem>>)
      %gt3A_136 = arith.constant 0 : i32
      %gt3A_137 = arith.cmpi sgt, %scan3A_75, %gt3A_136 : i32
      %convert_element_type3A_138 = arith.extui %gt3A_137 : i1 to i32
      %cond3A_139 = arith.constant 0 : i32
      %cond3A_140 = arith.cmpi ne, %convert_element_type3A_138, %cond3A_139 : i32
      scf.if %cond3A_140 {
        %dma_wait3A_169 = arith.constant 0 : i32
        %dma_wait3A_170 = arith.constant 0 : i32
        %dma_wait3A_171 = arith.constant 0 : i32
        %dma_wait3A_172 = arith.constant 0 : i32
        %dma_wait3A_173 = arith.constant 0 : i32
        %dma_wait3A_174 = tpu.memref_slice %arg13[%dma_wait3A_171, %dma_wait3A_172, %dma_wait3A_173] : memref<8x8x129xf32, #tpu.memory_space<vmem>> -> memref<8x8x128xf32, #tpu.memory_space<vmem>>
        %dma_wait3A_175 = arith.constant 0 : i32
        %dma_wait3A_176 = arith.constant 0 : i32
        %dma_wait3A_177 = arith.constant 0 : i32
        %dma_wait3A_178 = tpu.memref_slice %arg5[%dma_wait3A_169, %dma_wait3A_175, %dma_wait3A_170, %dma_wait3A_176, %dma_wait3A_177] : memref<200x8x32x8x128xf32, #tpu.memory_space<hbm>> -> memref<1x8x1x8x128xf32, #tpu.memory_space<hbm>>
        %dma_wait3A_179 = tpu.memref_squeeze %dma_wait3A_178 : memref<1x8x1x8x128xf32, #tpu.memory_space<hbm>> -> memref<8x8x128xf32, #tpu.memory_space<hbm>>
        %dma_wait3A_180 = arith.constant 0 : i32
        %dma_wait3A_181 = arith.constant 0 : i32
        %dma_wait3A_182 = arith.constant 0 : i32
        %dma_wait3A_183 = tpu.memref_slice %arg5[%dma_wait3A_169, %dma_wait3A_180, %dma_wait3A_170, %dma_wait3A_181, %dma_wait3A_182] : memref<200x8x32x8x128xf32, #tpu.memory_space<hbm>> -> memref<1x8x1x8x128xf32, #tpu.memory_space<hbm>>
        %dma_wait3A_184 = tpu.memref_squeeze %dma_wait3A_183 : memref<1x8x1x8x128xf32, #tpu.memory_space<hbm>> -> memref<8x8x128xf32, #tpu.memory_space<hbm>>
        %dma_wait3A_185 = arith.constant 0 : i32
        %dma_wait3A_186 = arith.constant 0 : i32
        %dma_wait3A_187 = arith.constant 0 : i32
        %dma_wait3A_188 = tpu.memref_slice %arg13[%dma_wait3A_185, %dma_wait3A_186, %dma_wait3A_187] : memref<8x8x129xf32, #tpu.memory_space<vmem>> -> memref<8x8x128xf32, #tpu.memory_space<vmem>>
        tpu.wait_dma2 semaphore(%arg19 : memref<!tpu.dma_semaphore, #tpu.memory_space<semaphore_mem>>) src(%dma_wait3A_188 : memref<8x8x128xf32, #tpu.memory_space<vmem>>) dst(%dma_wait3A_184 : memref<8x8x128xf32, #tpu.memory_space<hbm>>)
      } else {
      }
      %parallel_loop3A_141 = arith.constant 0 : i32
      %parallel_loop3A_142 = arith.constant 128 : i32
      %parallel_loop3A_143 = arith.constant 1 : i32
      scf.for %parallel_loop3A_169 = %parallel_loop3A_141 to %parallel_loop3A_142 step %parallel_loop3A_143  : i32 {
        %parallel_loop3A_170 = vector.broadcast %parallel_loop3A_169 : i32 to vector<16xi32>
        %parallel_loop3A_171 = arith.index_cast %parallel_loop3A_169 : i32 to index
        %parallel_loop3A_172 = arith.constant 0 : index
        %parallel_loop3A_173 = tpu.vector_load %arg9[%parallel_loop3A_171, %parallel_loop3A_172] {strides = array<i32>} : memref<128x64xf32, #tpu.memory_space<vmem>>, vector<16xf32>,
        %parallel_loop3A_174 = arith.index_cast %parallel_loop3A_169 : i32 to index
        %parallel_loop3A_175 = arith.constant 0 : index
        %parallel_loop3A_176 = tpu.vector_load %arg11[%parallel_loop3A_174, %parallel_loop3A_175] {strides = array<i32>} : memref<128x64xf32, #tpu.memory_space<vmem>>, vector<16xf32>,
        %parallel_loop3A_177 = arith.addf %parallel_loop3A_173, %parallel_loop3A_176 : vector<16xf32>
        %parallel_loop3A_178 = arith.constant 0 : i32
        %parallel_loop3A_179 = vector.broadcast %parallel_loop3A_178 : i32 to vector<16xi32>
        %parallel_loop3A_180 = arith.addi %shift_right_logical3A, %parallel_loop3A_179 : vector<16xi32>
        tpu.vector_store_idx %arg13[%parallel_loop3A_180, %and3A, %parallel_loop3A_170], %parallel_loop3A_177 : memref<8x8x129xf32, #tpu.memory_space<vmem>>[vector<16xi32>, vector<16xi32>, vector<16xi32>], vector<16xf32>,
        %parallel_loop3A_181 = arith.index_cast %parallel_loop3A_169 : i32 to index
        %parallel_loop3A_182 = arith.constant 16 : index
        %parallel_loop3A_183 = tpu.vector_load %arg9[%parallel_loop3A_181, %parallel_loop3A_182] {strides = array<i32>} : memref<128x64xf32, #tpu.memory_space<vmem>>, vector<16xf32>,
        %parallel_loop3A_184 = arith.index_cast %parallel_loop3A_169 : i32 to index
        %parallel_loop3A_185 = arith.constant 16 : index
        %parallel_loop3A_186 = tpu.vector_load %arg11[%parallel_loop3A_184, %parallel_loop3A_185] {strides = array<i32>} : memref<128x64xf32, #tpu.memory_space<vmem>>, vector<16xf32>,
        %parallel_loop3A_187 = arith.addf %parallel_loop3A_183, %parallel_loop3A_186 : vector<16xf32>
        %parallel_loop3A_188 = arith.constant 2 : i32
        %parallel_loop3A_189 = vector.broadcast %parallel_loop3A_188 : i32 to vector<16xi32>
        %parallel_loop3A_190 = arith.addi %shift_right_logical3A, %parallel_loop3A_189 : vector<16xi32>
        tpu.vector_store_idx %arg13[%parallel_loop3A_190, %and3A, %parallel_loop3A_170], %parallel_loop3A_187 : memref<8x8x129xf32, #tpu.memory_space<vmem>>[vector<16xi32>, vector<16xi32>, vector<16xi32>], vector<16xf32>,
        %parallel_loop3A_191 = arith.index_cast %parallel_loop3A_169 : i32 to index
        %parallel_loop3A_192 = arith.constant 32 : index
        %parallel_loop3A_193 = tpu.vector_load %arg9[%parallel_loop3A_191, %parallel_loop3A_192] {strides = array<i32>} : memref<128x64xf32, #tpu.memory_space<vmem>>, vector<16xf32>,
        %parallel_loop3A_194 = arith.index_cast %parallel_loop3A_169 : i32 to index
        %parallel_loop3A_195 = arith.constant 32 : index
        %parallel_loop3A_196 = tpu.vector_load %arg11[%parallel_loop3A_194, %parallel_loop3A_195] {strides = array<i32>} : memref<128x64xf32, #tpu.memory_space<vmem>>, vector<16xf32>,
        %parallel_loop3A_197 = arith.addf %parallel_loop3A_193, %parallel_loop3A_196 : vector<16xf32>
        %parallel_loop3A_198 = arith.constant 4 : i32
        %parallel_loop3A_199 = vector.broadcast %parallel_loop3A_198 : i32 to vector<16xi32>
        %parallel_loop3A_200 = arith.addi %shift_right_logical3A, %parallel_loop3A_199 : vector<16xi32>
        tpu.vector_store_idx %arg13[%parallel_loop3A_200, %and3A, %parallel_loop3A_170], %parallel_loop3A_197 : memref<8x8x129xf32, #tpu.memory_space<vmem>>[vector<16xi32>, vector<16xi32>, vector<16xi32>], vector<16xf32>,
        %parallel_loop3A_201 = arith.index_cast %parallel_loop3A_169 : i32 to index
        %parallel_loop3A_202 = arith.constant 48 : index
        %parallel_loop3A_203 = tpu.vector_load %arg9[%parallel_loop3A_201, %parallel_loop3A_202] {strides = array<i32>} : memref<128x64xf32, #tpu.memory_space<vmem>>, vector<16xf32>,
        %parallel_loop3A_204 = arith.index_cast %parallel_loop3A_169 : i32 to index
        %parallel_loop3A_205 = arith.constant 48 : index
        %parallel_loop3A_206 = tpu.vector_load %arg11[%parallel_loop3A_204, %parallel_loop3A_205] {strides = array<i32>} : memref<128x64xf32, #tpu.memory_space<vmem>>, vector<16xf32>,
        %parallel_loop3A_207 = arith.addf %parallel_loop3A_203, %parallel_loop3A_206 : vector<16xf32>
        %parallel_loop3A_208 = arith.constant 6 : i32
        %parallel_loop3A_209 = vector.broadcast %parallel_loop3A_208 : i32 to vector<16xi32>
        %parallel_loop3A_210 = arith.addi %shift_right_logical3A, %parallel_loop3A_209 : vector<16xi32>
        tpu.vector_store_idx %arg13[%parallel_loop3A_210, %and3A, %parallel_loop3A_170], %parallel_loop3A_207 : memref<8x8x129xf32, #tpu.memory_space<vmem>>[vector<16xi32>, vector<16xi32>, vector<16xi32>], vector<16xf32>,
      } {sc.loop_unroll_factor = 4 : i64, sc.parallel_access}
      %add3A_144 = arith.constant 2 : i32
      %add3A_145 = arith.addi %add3A_123, %add3A_144 : i32
      %lt3A_146 = arith.constant 200 : i32
      %lt3A_147 = arith.cmpi slt, %add3A_145, %lt3A_146 : i32
      %convert_element_type3A_148 = arith.extui %lt3A_147 : i1 to i32
      %cond3A_149 = arith.constant 0 : i32
      %cond3A_150 = arith.cmpi ne, %convert_element_type3A_148, %cond3A_149 : i32
      scf.if %cond3A_150 {
        %add3A_169 = arith.constant 2 : i32
        %add3A_170 = arith.addi %add3A_123, %add3A_169 : i32
        %dma_start3A_171 = arith.constant 0 : i32
        %dma_start3A_172 = tpu.memref_slice %arg6[%add3A_170, %dma_start3A_171] : memref<200x128xi32, #tpu.memory_space<vmem>> -> memref<1x128xi32, #tpu.memory_space<vmem>>
        %dma_start3A_173 = tpu.memref_squeeze %dma_start3A_172 : memref<1x128xi32, #tpu.memory_space<vmem>> -> memref<128xi32, #tpu.memory_space<vmem>>
        %dma_start3A_174 = arith.constant 0 : i32
        %dma_start3A_175 = arith.constant 0 : i32
        %dma_start3A_176 = tpu.memref_slice %arg4[%dma_start3A_174, %dma_start3A_175] : memref<1000000x64xf32, #tpu.memory_space<hbm>> -> memref<1000000x64xf32, #tpu.memory_space<hbm>>
        tpu.enqueue_indirect_dma source(%dma_start3A_176 : memref<1000000x64xf32, #tpu.memory_space<hbm>>) target(%arg9 : memref<128x64xf32, #tpu.memory_space<vmem>>) offsets(%dma_start3A_173 : memref<128xi32, #tpu.memory_space<vmem>>) semaphore(%arg15 : memref<!tpu.dma_semaphore, #tpu.memory_space<semaphore_mem>>)
        %add3A_177 = arith.constant 2 : i32
        %add3A_178 = arith.addi %add3A_123, %add3A_177 : i32
        %dma_start3A_179 = arith.constant 0 : i32
        %dma_start3A_180 = tpu.memref_slice %arg7[%add3A_178, %dma_start3A_179] : memref<200x128xi32, #tpu.memory_space<vmem>> -> memref<1x128xi32, #tpu.memory_space<vmem>>
        %dma_start3A_181 = tpu.memref_squeeze %dma_start3A_180 : memref<1x128xi32, #tpu.memory_space<vmem>> -> memref<128xi32, #tpu.memory_space<vmem>>
        %dma_start3A_182 = arith.constant 0 : i32
        %dma_start3A_183 = arith.constant 0 : i32
        %dma_start3A_184 = tpu.memref_slice %arg4[%dma_start3A_182, %dma_start3A_183] : memref<1000000x64xf32, #tpu.memory_space<hbm>> -> memref<1000000x64xf32, #tpu.memory_space<hbm>>
        tpu.enqueue_indirect_dma source(%dma_start3A_184 : memref<1000000x64xf32, #tpu.memory_space<hbm>>) target(%arg11 : memref<128x64xf32, #tpu.memory_space<vmem>>) offsets(%dma_start3A_181 : memref<128xi32, #tpu.memory_space<vmem>>) semaphore(%arg17 : memref<!tpu.dma_semaphore, #tpu.memory_space<semaphore_mem>>)
      } else {
      }
      %dma_start3A_151 = arith.constant 0 : i32
      %dma_start3A_152 = arith.constant 0 : i32
      %dma_start3A_153 = arith.constant 0 : i32
      %dma_start3A_154 = tpu.memref_slice %arg13[%dma_start3A_151, %dma_start3A_152, %dma_start3A_153] : memref<8x8x129xf32, #tpu.memory_space<vmem>> -> memref<8x8x128xf32, #tpu.memory_space<vmem>>
      %dma_start3A_155 = arith.constant 0 : i32
      %dma_start3A_156 = arith.constant 0 : i32
      %dma_start3A_157 = arith.constant 0 : i32
      %dma_start3A_158 = tpu.memref_slice %arg5[%add3A_123, %dma_start3A_155, %add3A, %dma_start3A_156, %dma_start3A_157] : memref<200x8x32x8x128xf32, #tpu.memory_space<hbm>> -> memref<1x8x1x8x128xf32, #tpu.memory_space<hbm>>
      %dma_start3A_159 = tpu.memref_squeeze %dma_start3A_158 : memref<1x8x1x8x128xf32, #tpu.memory_space<hbm>> -> memref<8x8x128xf32, #tpu.memory_space<hbm>>
      %dma_start3A_160 = arith.constant 0 : i32
      %dma_start3A_161 = arith.constant 0 : i32
      %dma_start3A_162 = arith.constant 0 : i32
      %dma_start3A_163 = tpu.memref_slice %arg5[%add3A_123, %dma_start3A_160, %add3A, %dma_start3A_161, %dma_start3A_162] : memref<200x8x32x8x128xf32, #tpu.memory_space<hbm>> -> memref<1x8x1x8x128xf32, #tpu.memory_space<hbm>>
      %dma_start3A_164 = tpu.memref_squeeze %dma_start3A_163 : memref<1x8x1x8x128xf32, #tpu.memory_space<hbm>> -> memref<8x8x128xf32, #tpu.memory_space<hbm>>
      %dma_start3A_165 = arith.constant 0 : i32
      %dma_start3A_166 = arith.constant 0 : i32
      %dma_start3A_167 = arith.constant 0 : i32
      %dma_start3A_168 = tpu.memref_slice %arg13[%dma_start3A_165, %dma_start3A_166, %dma_start3A_167] : memref<8x8x129xf32, #tpu.memory_space<vmem>> -> memref<8x8x128xf32, #tpu.memory_space<vmem>>
      tpu.enqueue_dma source(%dma_start3A_168 : memref<8x8x128xf32, #tpu.memory_space<vmem>>) target(%dma_start3A_164 : memref<8x8x128xf32, #tpu.memory_space<hbm>>) target_semaphore(%arg19 : memref<!tpu.dma_semaphore, #tpu.memory_space<semaphore_mem>>)
    }
    %scan3A_35 = arith.constant 100 : i32
    %dma_wait3A = arith.constant 0 : i32
    %dma_wait3A_36 = arith.constant 0 : i32
    %dma_wait3A_37 = arith.constant 0 : i32
    %dma_wait3A_38 = arith.constant 0 : i32
    %dma_wait3A_39 = arith.constant 0 : i32
    %dma_wait3A_40 = tpu.memref_slice %arg12[%dma_wait3A_37, %dma_wait3A_38, %dma_wait3A_39] : memref<8x8x129xf32, #tpu.memory_space<vmem>> -> memref<8x8x128xf32, #tpu.memory_space<vmem>>
    %dma_wait3A_41 = arith.constant 0 : i32
    %dma_wait3A_42 = arith.constant 0 : i32
    %dma_wait3A_43 = arith.constant 0 : i32
    %dma_wait3A_44 = tpu.memref_slice %arg5[%dma_wait3A, %dma_wait3A_41, %dma_wait3A_36, %dma_wait3A_42, %dma_wait3A_43] : memref<200x8x32x8x128xf32, #tpu.memory_space<hbm>> -> memref<1x8x1x8x128xf32, #tpu.memory_space<hbm>>
    %dma_wait3A_45 = tpu.memref_squeeze %dma_wait3A_44 : memref<1x8x1x8x128xf32, #tpu.memory_space<hbm>> -> memref<8x8x128xf32, #tpu.memory_space<hbm>>
    %dma_wait3A_46 = arith.constant 0 : i32
    %dma_wait3A_47 = arith.constant 0 : i32
    %dma_wait3A_48 = arith.constant 0 : i32
    %dma_wait3A_49 = tpu.memref_slice %arg5[%dma_wait3A, %dma_wait3A_46, %dma_wait3A_36, %dma_wait3A_47, %dma_wait3A_48] : memref<200x8x32x8x128xf32, #tpu.memory_space<hbm>> -> memref<1x8x1x8x128xf32, #tpu.memory_space<hbm>>
    %dma_wait3A_50 = tpu.memref_squeeze %dma_wait3A_49 : memref<1x8x1x8x128xf32, #tpu.memory_space<hbm>> -> memref<8x8x128xf32, #tpu.memory_space<hbm>>
    %dma_wait3A_51 = arith.constant 0 : i32
    %dma_wait3A_52 = arith.constant 0 : i32
    %dma_wait3A_53 = arith.constant 0 : i32
    %dma_wait3A_54 = tpu.memref_slice %arg12[%dma_wait3A_51, %dma_wait3A_52, %dma_wait3A_53] : memref<8x8x129xf32, #tpu.memory_space<vmem>> -> memref<8x8x128xf32, #tpu.memory_space<vmem>>
    tpu.wait_dma2 semaphore(%arg18 : memref<!tpu.dma_semaphore, #tpu.memory_space<semaphore_mem>>) src(%dma_wait3A_54 : memref<8x8x128xf32, #tpu.memory_space<vmem>>) dst(%dma_wait3A_50 : memref<8x8x128xf32, #tpu.memory_space<hbm>>)
    %dma_wait3A_55 = arith.constant 0 : i32
    %dma_wait3A_56 = arith.constant 0 : i32
    %dma_wait3A_57 = arith.constant 0 : i32
    %dma_wait3A_58 = arith.constant 0 : i32
    %dma_wait3A_59 = arith.constant 0 : i32
    %dma_wait3A_60 = tpu.memref_slice %arg13[%dma_wait3A_57, %dma_wait3A_58, %dma_wait3A_59] : memref<8x8x129xf32, #tpu.memory_space<vmem>> -> memref<8x8x128xf32, #tpu.memory_space<vmem>>
    %dma_wait3A_61 = arith.constant 0 : i32
    %dma_wait3A_62 = arith.constant 0 : i32
    %dma_wait3A_63 = arith.constant 0 : i32
    %dma_wait3A_64 = tpu.memref_slice %arg5[%dma_wait3A_55, %dma_wait3A_61, %dma_wait3A_56, %dma_wait3A_62, %dma_wait3A_63] : memref<200x8x32x8x128xf32, #tpu.memory_space<hbm>> -> memref<1x8x1x8x128xf32, #tpu.memory_space<hbm>>
    %dma_wait3A_65 = tpu.memref_squeeze %dma_wait3A_64 : memref<1x8x1x8x128xf32, #tpu.memory_space<hbm>> -> memref<8x8x128xf32, #tpu.memory_space<hbm>>
    %dma_wait3A_66 = arith.constant 0 : i32
    %dma_wait3A_67 = arith.constant 0 : i32
    %dma_wait3A_68 = arith.constant 0 : i32
    %dma_wait3A_69 = tpu.memref_slice %arg5[%dma_wait3A_55, %dma_wait3A_66, %dma_wait3A_56, %dma_wait3A_67, %dma_wait3A_68] : memref<200x8x32x8x128xf32, #tpu.memory_space<hbm>> -> memref<1x8x1x8x128xf32, #tpu.memory_space<hbm>>
    %dma_wait3A_70 = tpu.memref_squeeze %dma_wait3A_69 : memref<1x8x1x8x128xf32, #tpu.memory_space<hbm>> -> memref<8x8x128xf32, #tpu.memory_space<hbm>>
    %dma_wait3A_71 = arith.constant 0 : i32
    %dma_wait3A_72 = arith.constant 0 : i32
    %dma_wait3A_73 = arith.constant 0 : i32
    %dma_wait3A_74 = tpu.memref_slice %arg13[%dma_wait3A_71, %dma_wait3A_72, %dma_wait3A_73] : memref<8x8x129xf32, #tpu.memory_space<vmem>> -> memref<8x8x128xf32, #tpu.memory_space<vmem>>
    tpu.wait_dma2 semaphore(%arg19 : memref<!tpu.dma_semaphore, #tpu.memory_space<semaphore_mem>>) src(%dma_wait3A_74 : memref<8x8x128xf32, #tpu.memory_space<vmem>>) dst(%dma_wait3A_70 : memref<8x8x128xf32, #tpu.memory_space<hbm>>)
    return
  }
}

module attributes {stable_mosaic.version = 14 : i64} {
  func.func @_transpose_blk(%arg0: i32, %arg1: memref<64x8192xf32, #tpu.memory_space<vmem>>, %arg2: memref<64x8192xf32, #tpu.memory_space<vmem>>, %arg3: memref<8192x128xf32, #tpu.memory_space<vmem>>) attributes {dimension_semantics = [#tpu.dimension_semantics<arbitrary>], iteration_bounds = array<i64: 62>, scalar_prefetch = 0 : i64, scratch_operands = 0 : i64, tpu.core_type = #tpu.core_type<tc>, window_params = [{transform_indices = @transform_0, window_bounds = array<i64: 64, 8192>}, {transform_indices = @transform_1, window_bounds = array<i64: 64, 8192>}, {transform_indices = @transform_2, window_bounds = array<i64: 8192, 128>}]} {
    %get3A = arith.constant 0 : index
    %get3A_0 = arith.constant 0 : index
    %get3A_1 = vector.load %arg1[%get3A, %get3A_0] : memref<64x8192xf32, #tpu.memory_space<vmem>>, vector<64x8192xf32>
    %transpose3A = tpu.transpose %get3A_1, [1, 0] : vector<64x8192xf32> -> vector<8192x64xf32>
    %swap3A = arith.constant 0 : index
    %swap3A_2 = arith.constant 0 : index
    %swap3A_3 = vector.load %arg3[%swap3A, %swap3A_2] : memref<8192x128xf32, #tpu.memory_space<vmem>>, vector<8192x64xf32>
    tpu.vector_store %arg3[%swap3A, %swap3A_2], %transpose3A {strides = array<i32>} : memref<8192x128xf32, #tpu.memory_space<vmem>>, vector<8192x64xf32>,
    %get3A_4 = arith.constant 0 : index
    %get3A_5 = arith.constant 0 : index
    %get3A_6 = vector.load %arg2[%get3A_4, %get3A_5] : memref<64x8192xf32, #tpu.memory_space<vmem>>, vector<64x8192xf32>
    %transpose3A_7 = tpu.transpose %get3A_6, [1, 0] : vector<64x8192xf32> -> vector<8192x64xf32>
    %swap3A_8 = arith.constant 0 : index
    %swap3A_9 = arith.constant 64 : index
    %swap3A_10 = vector.load %arg3[%swap3A_8, %swap3A_9] : memref<8192x128xf32, #tpu.memory_space<vmem>>, vector<8192x64xf32>
    tpu.vector_store %arg3[%swap3A_8, %swap3A_9], %transpose3A_7 {strides = array<i32>} : memref<8192x128xf32, #tpu.memory_space<vmem>>, vector<8192x64xf32>,
    return
  }
  func.func @transform_0(%arg0: i32) -> (i32, i32) {
    %c0_i32 = arith.constant 0 : i32
    %c0_i32_0 = arith.constant 0 : i32
    return %c0_i32, %arg0 : i32, i32
  }
  func.func @transform_1(%arg0: i32) -> (i32, i32) {
    %add3A = arith.constant 61 : i32
    %add3A_0 = arith.addi %arg0, %add3A : i32
    %c0_i32 = arith.constant 0 : i32
    %c0_i32_1 = arith.constant 0 : i32
    return %c0_i32, %add3A_0 : i32, i32
  }
  func.func @transform_2(%arg0: i32) -> (i32, i32) {
    %c0_i32 = arith.constant 0 : i32
    %c0_i32_0 = arith.constant 0 : i32
    return %arg0, %c0_i32 : i32, i32
  }
}

</mosaic_0001>

<sc_bundles>
// kernel: kernel.4.cloned.1.call-start
scs
__scs_entry_jumppad:
0x0: {  	(pc) =	sbr.rel $0x88, $3  }
0x1: {  	(tag) =	ssettag $0x0;
	lr =	simm.s32 $0x1  }
0x2: {  	[smem:$0x3F9E] =	sst lr;
	_ =	strace $0xD0000000  }
0x3: {  	_ = 	snop  }
0x4: {  	_ = 	snop  }
0x5: {  	_ = 	snop  }
0x6: {  	_ = 	snop  }
0x7: {  	_ = 	snop  }
__scs_overlays_trampoline_lowered:
0x8: {  	[smem:$0x3FAD] =	sst s0  }
0x9: {  	[smem:$0x3FAE] =	sst s1  }
0xa: {  	[smem:$0x3FAF] =	sst s2  }
0xb: {  	[smem:$0x3FB0] =	sst s3  }
0xc: {  	[smem:$0x3FB1] =	sst s4  }
0xd: {  	[smem:$0x3FB2] =	sst s5  }
0xe: {  	[smem:$0x3FB3] =	sst s6  }
0xf: {  	[smem:$0x3FB4] =	sst s7  }
0x10: {  	[smem:$0x3FB5] =	sst s8  }
0x11: {  	[smem:$0x3FB6] =	sst s9;
	s0 =	simm.s32 @!p0 $0x0  }
0x12: {  	s1 =	sld [smem:$0x3F9C];
	s0 =	simm.s32 @p0 $0x1  }
0x13: {  	[smem:$0x3FB7] =	sst s0;
	s0 =	simm.s32 @!p1 $0x0  }
0x14: {  	s2 =	sld [smem:$0x3F9B];
	s0 =	simm.s32 @p1 $0x1  }
0x15: {  	[smem:$0x3FB8] =	sst s0;
	s0 =	simm.s32 @!p2 $0x0  }
0x16: {  	s3 =	sld [smem:$0x3FDB];
	s0 =	simm.s32 @p2 $0x1  }
0x17: {  	s4 =	simm.s32 $0x1BF5;
	[smem:$0x3FBA] =	sst s0  }
0x18: {  	s0 =	sld [smem:$0x3F9D];
	_ =	swait.ge [sflag:s4], $0x0  }
0x19: {  	s7 =	sld [smem:$0x3F9E]  }
0x1a: {  	s8 =	sadd.s32 $0xFFFFE003, lr  }
0x1b: {  	s9 =	sadd.s32 $0xFFFFFEF7, lr;
	s5 =	simm.s32 $0xFFFFFFFF;
	p2 =	slt.u32 s8, $0xFFFFF086  }
0x1c: {  	p1 =	slt.u32 s9, $0xF7A;
	s5 =	simm.s32 @!p2 $0x0  }
0x1d: {  	s5 =	simm.s32 @p1 $0x1;
	p0 =	seq.s32 s7, s2  }
0x1e: {  	s7 =	smul.u32 @!p0 $0xF7A, s2;
	p2 =	seq.s32 @!p0 s5, $0x0  }
0x1f: {  	s9 =	smul.u32 $0xF7A, s1;
	s8 =	simm.s32 @!p0 $0x1BF5;
	p2 =	por !p2, p0  }
0x20: {  	[sflag:s8] =	ssyncset.s32 @!p0 $0xFFFFF086;
	s6 =	sadd.s32 @!p0 s3, s7;
	s7 =	simm.s32 @!p0 $0x108  }
0x21: {  	s3 =	sadd.s32 s3, s9;
	s6 =	sadd.s32 @!p0 $0x88, s6;
	s7 =	simm.s32 @p2 $0x1082  }
0x22: {  	[simem:s7], [sflag:s8] =	dma.local @!p0 [hbm:s6], $0xF7A  }
0x23: {  	s9 =	sor.u32 $0xD0000000, s2;
	s6 =	simm.s32 $0x108;
	_ =	swait.ge @!p0 [sflag:s8], $0x0  }
0x24: {  	s3 =	sadd.s32 $0x88, s3;
	s6 =	simm.s32 @!p1 $0x1082;
	[sflag:s4] =	ssyncset.s32 $0xFFFFF086  }
0x25: {  	[simem:s6], [sflag:s4] =	dma.local [hbm:s3], $0xF7A  }
0x26: {  	[smem:$0x3F9E] =	sst s1;
	(tag) =	ssettag s2;
	_ =	strace s9  }
0x27: {  	s1 =	sld [smem:$0x3FAE]  }
0x28: {  	s2 =	sld [smem:$0x3FAF]  }
0x29: {  	s4 =	sld [smem:$0x3FB1]  }
0x2a: {  	p0 =	seq.s32 s5, $0x0;
	s5 =	sld [smem:$0x3FB2]  }
0x2b: {  	s6 =	sld [smem:$0x3FB3]  }
0x2c: {  	s7 =	sld [smem:$0x3FB4]  }
0x2d: {  	s3 =	simm.s32 $0x108;
	s8 =	sld [smem:$0x3FB5]  }
0x2e: {  	s3 =	simm.s32 @!p0 $0x1082;
	s9 =	sld [smem:$0x3FB6]  }
0x2f: {  	lr =	sadd.s32 s0, s3;
	s0 =	sld [smem:$0x3FAD]  }
0x30: {  	s3 =	sld [smem:$0x3FB0]  }
0x31: {  	[smem:$0x3FB9] =	sst s10  }
0x32: {  	s10 =	sld [smem:$0x3FB7];
	_ =	sdelay $0x3  }
0x33: {  	p0 =	seq.s32 s10, $0x1;
	s10 =	sld [smem:$0x3FB9];
	_ =	sdelay $0x3  }
0x34: {  	[smem:$0x3FB9] =	sst s10  }
0x35: {  	s10 =	sld [smem:$0x3FB8];
	_ =	sdelay $0x3  }
0x36: {  	p1 =	seq.s32 s10, $0x1;
	s10 =	sld [smem:$0x3FB9];
	_ =	sdelay $0x3  }
0x37: {  	[smem:$0x3FB9] =	sst s10  }
0x38: {  	s10 =	sld [smem:$0x3FBA]  }
0x39: {  	_ = 	snop;
	(pc) =	sbr.ind lr, $3  }
0x3a: {  	_ = 	snop  }
0x3b: {  	_ = 	snop  }
0x3c: {  	p2 =	seq.s32 s10, $0x1;
	s10 =	sld [smem:$0x3FB9]  }
0x3d: {  	_ =	shalt  }
0x3e: {  	_ =	shalt  }
0x3f: {  	_ =	shalt  }
0x40: {  	_ =	shalt  }
0x41: {  	_ =	shalt  }
0x42: {  	_ =	shalt  }
0x43: {  	_ =	shalt  }
0x44: {  	_ =	shalt  }
0x45: {  	_ =	shalt  }
0x46: {  	_ =	shalt  }
0x47: {  	_ =	shalt  }
0x48: {  	_ =	shalt  }
0x49: {  	_ =	shalt  }
0x4a: {  	_ =	shalt  }
0x4b: {  	_ =	shalt  }
0x4c: {  	_ =	shalt  }
0x4d: {  	_ =	shalt  }
0x4e: {  	_ =	shalt  }
0x4f: {  	_ =	shalt  }
0x50: {  	_ =	shalt  }
0x51: {  	_ =	shalt  }
0x52: {  	_ =	shalt  }
0x53: {  	_ =	shalt  }
0x54: {  	_ =	shalt  }
0x55: {  	_ =	shalt  }
0x56: {  	_ =	shalt  }
0x57: {  	_ =	shalt  }
0x58: {  	_ =	shalt  }
0x59: {  	_ =	shalt  }
0x5a: {  	_ =	shalt  }
0x5b: {  	_ =	shalt  }
0x5c: {  	_ =	shalt  }
0x5d: {  	_ =	shalt  }
0x5e: {  	_ =	shalt  }
0x5f: {  	_ =	shalt  }
0x60: {  	_ =	shalt  }
0x61: {  	_ =	shalt  }
0x62: {  	_ =	shalt  }
0x63: {  	_ =	shalt  }
0x64: {  	_ =	shalt  }
0x65: {  	_ =	shalt  }
0x66: {  	_ =	shalt  }
0x67: {  	_ =	shalt  }
0x68: {  	_ =	shalt  }
0x69: {  	_ =	shalt  }
0x6a: {  	_ =	shalt  }
0x6b: {  	_ =	shalt  }
0x6c: {  	_ =	shalt  }
0x6d: {  	_ =	shalt  }
0x6e: {  	_ =	shalt  }
0x6f: {  	_ =	shalt  }
0x70: {  	_ =	shalt  }
0x71: {  	_ =	shalt  }
0x72: {  	_ =	shalt  }
0x73: {  	_ =	shalt  }
0x74: {  	_ =	shalt  }
0x75: {  	_ =	shalt  }
0x76: {  	_ =	shalt  }
0x77: {  	_ =	shalt  }
0x78: {  	_ =	shalt  }
0x79: {  	_ =	shalt  }
0x7a: {  	_ =	shalt  }
0x7b: {  	_ =	shalt  }
0x7c: {  	_ =	shalt  }
0x7d: {  	_ =	shalt  }
0x7e: {  	_ =	shalt  }
0x7f: {  	_ =	shalt  }
0x80: {  	_ =	shalt  }
0x81: {  	_ =	shalt  }
0x82: {  	_ =	shalt  }
0x83: {  	_ =	shalt  }
0x84: {  	_ =	shalt  }
0x85: {  	_ =	shalt  }
0x86: {  	_ =	shalt  }
0x87: {  	_ =	shalt  }
.Lfunc_end0:
.L_simem_size_0:
called_computation_lowered:
.L_overlay_start_0:
0x88: {  	s2 =	sld [smem:$0x3FD9]  }
0x89: {  	s3 =	sld [smem:$0x3FFE];
	_ =	sdelay $0x1  }
0x8a: {  	s1 =	srdreg.scid  }
0x8b: {  	s0 =	sand.u32 $0x1, s1  }
0x8c: {  	s17 =	sshll.u32 s0, $0xA;
	s2 =	sadd.s32 s3, s2  }
0x8d: {  	s2 =	sadd.s32 s2, s17  }
0x8e: {  	[smem:$0x3FC5] =	sst s2  }
0x8f: {  	_ = 	snop  }
0x90: {  	s2 =	sld [smem:$0x3FD0];
	(tm) =	ssettm $0x1  }
0x91: {  	s18 =	sld [smem:$0x3FFB];
	_ =	sdelay $0x3  }
0x92: {  	_ =	strace s18  }
0x93: {  	s3 =	sld [smem:$0x3FFC];
	_ =	sdelay $0x3  }
0x94: {  	_ =	strace s3  }
0x95: {  	s3 =	sld [smem:$0x3FFD];
	_ =	sdelay $0x3  }
0x96: {  	_ =	strace s3  }
0x97: {  	_ =	strace $0x8FFFFFFF  }
0x98: {  	s19 =	sld [smem:$0x3FDB];
	_ =	sdelay $0x1  }
0x99: {  	s4 =	simm.s32 $_scs_section_size  }
0x9a: {  	s5 =	simm.s32 $_size__tile_overlayer_lowered;
	s6 =	simm.s32 $_tile_overlayer_lowered  }
0x9b: {  	s22 =	simm.s32 $0x1BFF;
	s21 =	sshll.u32 s6, $0x1;
	s3 =	sadd.s32 s4, s19  }
0x9c: {  	s7 =	simm.s32 $0x0;
	s20 =	sshll.u32 s5, $0x1;
	s5 =	sadd.s32 s21, s3  }
0x9d: {  	[timem:s7], [sflag:s22] =	dma.local [hbm:s5], s20  }
0x9e: {  	_ =	swait.ge [sflag:s22], s20  }
0x9f: {  	s4 =	ssub.s32 $0x0, s20;
	[sflag:s22] =	ssyncset.done $0x0  }
0xa0: {  	[sflag:s22] =	ssyncadd.s32 s4;
	_ =	sdelay $0x1  }
0xa1: {  	s23 =	simm.s32 $0x1B8B  }
0xa2: {  	_ =	swait.ge [sflag:s23], $0x1  }
0xa3: {  	[sflag:s23] =	ssyncset.done $0x0  }
0xa4: {  	s25 =	simm.s32 $0x1B8E;
	s24 =	sld [smem:$0x3FFE];
	[sflag:s23] =	ssyncadd.s32 $0xFFFFFFFF  }
0xa5: {  	s26 =	simm.s32 $execute0_lowered;
	[smem:$0x3FD2] =	sst s25  }
0xa6: {  	s5 =	sshll.u32 s26, $0x1;
	_ =	strace $0x80000046;
	[dreg:$0x1] =	wrdreg $0xFFFFFFFF  }
0xa7: {  	s28 =	simm.s32 $_size_execute0_lowered;
	s3 =	sadd.s32 s3, s5;
	[dreg:$0x0] =	wrdreg $0x0  }
0xa8: {  	s5 =	sshll.u32 s28, $0x1;
	[dreg:$0x2] =	wrdreg s3  }
0xa9: {  	[dreg:$0x3] =	wrdreg s5  }
0xaa: {  	[dreg:$0x4] =	wrdreg $0xC0  }
0xab: {  	_ =	task [dreg:s7], $0x5FFFF  }
0xac: {  	[dreg:$0x1] =	wrdreg $0xFFFFFFFF  }
0xad: {  	[dreg:$0x0] =	wrdreg $0x60  }
0xae: {  	[dreg:$0x2] =	wrdreg s24  }
0xaf: {  	[dreg:$0x3] =	wrdreg s2  }
0xb0: {  	[dreg:$0x4] =	wrdreg $0x9  }
0xb1: {  	_ =	task.clear_ibuf [dreg:s7], $0x5FFFF;
	_ =	strace $0x90000046  }
0xb2: {  	s29 =	simm.s32 $0x9;
	_ =	strace $0x80000048  }
0xb3: {  	_ =	swait.ge [sflag:s29], $0x1  }
0xb4: {  	[sflag:s29] =	ssyncadd.s32 $0xFFFFFFFF  }
0xb5: {  	_ =	strace $0x90000048  }
0xb6: {  	_ =	sfence  }
0xb7: {  	s30 =	sld [smem:$0x0];
	_ =	sdelay $0x2  }
0xb8: {  	s31 =	sshll.u32 s1, $0xD;
	s1 =	sshrl.u32 s1, $0x2  }
0xb9: {  	s3 =	sand.u32 $0x4000, s31;
	s1 =	sadd.s32 s1, s30  }
0xba: {  	s0 =	sor.u32 s3, s0;
	s1 =	sshll.u32 s1, $0x11  }
0xbb: {  	s0 =	sor.u32 s1, s0  }
0xbc: {  	s0 =	sadd.s32 $0x8F2B, s0  }
0xbd: {  	[sflag:s0] =	ssyncadd.remote.s32 $0x1  }
0xbe: {  	_ =	sfence.sel $0xFFFF  }
0xbf: {  	[dreg:$0x0] =	wrdreg $0xFFFFFFFF;
	(pc) =	sbr.abs _section_cstart, $3  }
0xc0: {  	[dreg:$0x1] =	wrdreg $0xFFFFFFFF  }
0xc1: {  	_ =	task.clear_ibuf [dreg:s7], $0x2FFFF;
	_ =	strace $0x9FFFFFFF  }
0xc2: {  	(tm) =	ssettm $0x7FFFFFFF  }
0xc3: {  	_ =	shalt  }
tec
execute0_lowered:
.L_overlay_start_1:
0x0: {  	(tag) =	ssettag $0x1  }
0x1: {  	s0 =	srdreg.scid  }
0x2: {  	s2 =	stileid.u32;
	s1 =	rddreg [dreg:$0x0];
	s10 =	simm.s32 $0x7  }
0x3: {  	s11 =	simm.s32 $0x6400;
	s12 =	simm.s32 $0x80;
	s17 =	simm.s32 $0x12800  }
0x4: {  	s18 =	simm.s32 $0x1;
	s19 =	simm.s32 $0x3;
	s20 =	simm.s32 $0x14800  }
0x5: {  	s21 =	simm.s32 $0x2;
	s22 =	simm.s32 $0x4;
	s23 =	simm.s32 $0x16A00  }
0x6: {  	s24 =	simm.s32 $0x5;
	s25 =	simm.s32 $0x6;
	s26 =	simm.s32 $0x0  }
0x7: {  	s0 =	sand.u32 $0x1, s0;
	s3 =	sshll.u32 s2, $0x1;
	s2 =	rddreg [dreg:$0x1]  }
0x8: {  	v0 =	vlaneseq.u32;
	s7 =	sor.u32 s0, s3;
	s3 =	simm.s32 $0x0;
	s0 =	ssub.s32 $0x2, s0  }
0x9: {  	v0 =	vmul.u32 $0x88, v0;
	s8 =	sadd.s32 $0x8000, s2;
	s4 =	smul.u32 $0xC80, s7;
	[smem:$0x7FF] =	sst s3  }
0xa: {  	s5 =	sshrl.u32 s0, $0x1;
	s7 =	sshll.u32 s7, $0x7;
	_ =	strace $0x80000047  }
0xb: {  	v1 =	vadd.s32 $0x880, v0;
	s0 =	ssub.s32 s0, s5;
	s6 =	sadd.s32 s4, s1;
	s4 =	sadd.s32 $0x800, s1  }
0xc: {  	v2 =	vadd.s32 $0x1100, v0;
	v3 =	vadd.s32 $0x1980, v0;
	s9 =	smax.u32 s0, $0x1;
	s5 =	sadd.s32 $0x7BAA00, s6;
	s6 =	sadd.s32 $0x7A1A00, s6  }
.LBB2_1:
0xd: {  	[tilespmem:s3], [sflag:$0x7] =	stream.linear.gather [hbm4b:s5+s3], $0x6400, $0x38;
	[tilespmem:$0x18C00] =	vst v63  }
0xe: {  	_ =	swait.ge [sflag:s10], $0x6400  }
0xf: {  	[sflag:s10] =	ssyncset.done $0x0  }
0x10: {  	[sflag:s10] =	ssyncadd.s32 $0xFFFF9C00  }
0x11: {  	[tilespmem:s11], [sflag:$0x7] =	stream.linear.gather [hbm4b:s6+s3], $0x6400, $0x38;
	[tilespmem:$0x18C00] =	vst v63  }
0x12: {  	_ =	swait.ge [sflag:s10], $0x6400  }
0x13: {  	[sflag:s10] =	ssyncset.done $0x0  }
0x14: {  	s0 =	simm.s32 $0xC800;
	[sflag:s10] =	ssyncadd.s32 $0xFFFF9C00  }
0x15: {  	[tilespmem:s0], [sflag:$0x1] =	stream.indirect.gather [hbm4b:s4+s12], $0x40, s3, s12, $0xb8;
	[tilespmem:$0x18C00] =	vst v63  }
0x16: {  	s29 =	simm.s32 $0x10800  }
0x17: {  	[tilespmem:s29], [sflag:$0x3] =	stream.indirect.gather [hbm4b:s4+s12], $0x40, s11, s12, $0xb8;
	[tilespmem:$0x18C00] =	vst v63  }
0x18: {  	s30 =	simm.s32 $0xE800  }
0x19: {  	[tilespmem:s30], [sflag:$0x2] =	stream.indirect.gather [hbm4b:s4+s12], $0x40, s12, s12, $0xb8;
	[tilespmem:$0x18C00] =	vst v63  }
0x1a: {  	s31 =	simm.s32 $0x6480;
	s28 =	simm.s32 $0x0  }
0x1b: {  	[tilespmem:s17], [sflag:$0x4] =	stream.indirect.gather [hbm4b:s4+s12], $0x40, s31, s12, $0xb8;
	[tilespmem:$0x18C00] =	vst v63  }
.LBB2_2:
0x1c: {  	_ =	swait.ge [sflag:s18], $0x2000  }
0x1d: {  	[sflag:s18] =	ssyncset.done $0x0  }
0x1e: {  	[sflag:s18] =	ssyncadd.s32 $0xFFFFE000  }
0x1f: {  	_ =	swait.ge [sflag:s19], $0x2000  }
0x20: {  	p1 =	seq.s32 s28, $0x0;
	[sflag:s19] =	ssyncset.done $0x0  }
0x21: {  	s0 =	simm.s32 @!p1 $0x5;
	[sflag:s19] =	ssyncadd.s32 $0xFFFFE000  }
0x22: {  	_ =	swait.ge @!p1 [sflag:s0], $0x2000  }
0x23: {  	[sflag:s0] =	ssyncset.done @!p1 $0x0  }
0x24: {  	s31 =	simm.s32 $0xC880;
	[sflag:s0] =	ssyncadd.s32 @!p1 $0xFFFFE000  }
0x25: {  	s30 =	simm.s32 $0x10880;
	s13 =	simm.s32 $0x3;
	v5 =	vld [tilespmem:s31+$0x40]  }
0x26: {  	v4 =	vmov s13;
	v6 =	vld [tilespmem:s30+$0x40]  }
0x27: {  	s14 =	simm.s32 $0x0;
	v8 =	vand.u32 $0x7F, v4;
	v7 =	vld [tilespmem:s31+$0xFFFFFF80]  }
0x28: {  	v4 =	vmov s14;
	v10 =	vadd.s32 v0, v8;
	v9 =	vld [tilespmem:s30+$0xFFFFFF80]  }
0x29: {  	s15 =	simm.s32 $0x1;
	v11 =	vand.u32 $0x7C, v4;
	v12 =	vld [tilespmem:s31+$0xFFFFFFC0]  }
0x2a: {  	v4 =	vmov s15;
	v13 =	vadd.s32 v0, v11;
	v14 =	vld [tilespmem:s30+$0xFFFFFFC0]  }
0x2b: {  	v4 =	vand.u32 $0x7D, v4;
	v5 =	vadd.f32 v6, v5  }
0x2c: {  	s16 =	simm.s32 $0x2;
	v15 =	vadd.s32 v0, v4;
	v17 =	vld [tilespmem:s30+$0x0]  }
0x2d: {  	v16 =	vmov s16;
	v6 =	vld [tilespmem:s31+$0x0];
	v7 =	vadd.f32 v9, v7;
	[tilespmem:v10+s20+$0x0] =	vst.idx.msk $0xffff, v5  }
0x2e: {  	v5 =	vand.u32 $0x7E, v16;
	v9 =	vld [tilespmem:s31+$0x50]  }
0x2f: {  	[tilespmem:v13+s20+$0x0] =	vst.idx.msk $0xffff, v7;
	v7 =	vadd.f32 v14, v12;
	v10 =	vadd.s32 v0, v5;
	v12 =	vld [tilespmem:s30+$0x50]  }
0x30: {  	v13 =	vld [tilespmem:s31+$0xFFFFFF90]  }
0x31: {  	v14 =	vld [tilespmem:s30+$0xFFFFFF90];
	[tilespmem:v15+s20+$0x0] =	vst.idx.msk $0xffff, v7;
	v7 =	vadd.s32 v1, v8  }
0x32: {  	v6 =	vadd.f32 v17, v6;
	v15 =	vld [tilespmem:s31+$0xFFFFFFD0]  }
0x33: {  	v16 =	vadd.s32 v1, v11;
	v17 =	vld [tilespmem:s30+$0xFFFFFFD0]  }
0x34: {  	[tilespmem:v10+s20+$0x0] =	vst.idx.msk $0xffff, v6;
	v6 =	vadd.f32 v12, v9  }
0x35: {  	v10 =	vadd.s32 v1, v4;
	v9 =	vld [tilespmem:s31+$0x10]  }
0x36: {  	v13 =	vadd.f32 v14, v13;
	v12 =	vld [tilespmem:s30+$0x10];
	[tilespmem:v7+s20+$0x0] =	vst.idx.msk $0xffff, v6  }
0x37: {  	v6 =	vld [tilespmem:s31+$0x60]  }
0x38: {  	v7 =	vadd.s32 v1, v5;
	[tilespmem:v16+s20+$0x0] =	vst.idx.msk $0xffff, v13;
	v13 =	vadd.f32 v17, v15;
	v14 =	vld [tilespmem:s30+$0x60]  }
0x39: {  	v15 =	vld [tilespmem:s31+$0xFFFFFFA0]  }
0x3a: {  	v16 =	vld [tilespmem:s30+$0xFFFFFFA0];
	[tilespmem:v10+s20+$0x0] =	vst.idx.msk $0xffff, v13;
	v10 =	vadd.s32 v2, v8  }
0x3b: {  	v9 =	vadd.f32 v12, v9  }
0x3c: {  	v13 =	vadd.s32 v2, v11;
	v12 =	vld [tilespmem:s31+$0xFFFFFFE0]  }
0x3d: {  	v17 =	vld [tilespmem:s30+$0xFFFFFFE0];
	[tilespmem:v7+s20+$0x0] =	vst.idx.msk $0xffff, v9;
	v6 =	vadd.f32 v14, v6  }
0x3e: {  	v9 =	vld [tilespmem:s31+$0x20]  }
0x3f: {  	v15 =	vadd.f32 v16, v15;
	v14 =	vld [tilespmem:s30+$0x20];
	[tilespmem:v10+s20+$0x0] =	vst.idx.msk $0xffff, v6  }
0x40: {  	v6 =	vld [tilespmem:s31+$0x70]  }
0x41: {  	v7 =	vadd.s32 v2, v4;
	[tilespmem:v13+s20+$0x0] =	vst.idx.msk $0xffff, v15;
	v13 =	vld [tilespmem:s30+$0x70]  }
0x42: {  	v15 =	vadd.s32 v2, v5;
	v16 =	vld [tilespmem:s31+$0xFFFFFFB0]  }
0x43: {  	s1 =	simm.s32 $0xC980;
	v18 =	vadd.s32 v3, v8;
	v10 =	vadd.f32 v17, v12;
	v17 =	vld [tilespmem:s30+$0xFFFFFFB0]  }
0x44: {  	s0 =	simm.s32 $0x10980;
	v8 =	vadd.s32 v3, v11;
	v11 =	vld [tilespmem:s1+$0xFFFFFF80]  }
0x45: {  	s13 =	simm.s32 $0x7;
	v12 =	vld [tilespmem:s0+$0x40];
	v9 =	vadd.f32 v14, v9  }
0x46: {  	[tilespmem:v7+s20+$0x0] =	vst.idx.msk $0xffff, v10;
	v10 =	vld [tilespmem:s1+$0x40];
	v14 =	vmov s13;
	v19 =	vadd.f32 v13, v6  }
0x47: {  	v7 =	vld [tilespmem:s31+$0xFFFFFFF0];
	s13 =	simm.s32 $0x4;
	[tilespmem:v15+s20+$0x0] =	vst.idx.msk $0xffff, v9;
	v6 =	vand.u32 $0x7F, v14  }
0x48: {  	s29 =	sshll.u32 s28, $0x8;
	s14 =	simm.s32 $0x8;
	v15 =	vmov s13;
	v14 =	vld [tilespmem:s0+$0xFFFFFF80];
	v9 =	vadd.f32 v17, v16;
	v13 =	vadd.s32 v0, v6;
	[tilespmem:v18+s20+$0x0] =	vst.idx.msk $0xffff, v19  }
.LBB2_3:
0x49: {  	p0 =	slt.u32 s14, $0x7C;
	v15 =	vand.u32 $0x7C, v15;
	s15 =	sadd.s32 $0x1, s13;
	v16 =	vld [tilespmem:s1+$0xFFFFFFC0]  }
0x4a: {  	v17 =	vadd.s32 v0, v15;
	v18 =	vmov s15;
	v19 =	vld [tilespmem:s0+$0xFFFFFFC0];
	[tilespmem:v8+s20+$0x0] =	vst.idx.msk $0xffff, v9  }
0x4b: {  	s15 =	sadd.s32 $0x2, s13;
	s13 =	smov.u32 s14;
	v8 =	vand.u32 $0x7D, v18;
	v9 =	vld [tilespmem:s1+$0x0];
	v10 =	vadd.f32 v12, v10  }
0x4c: {  	v18 =	vmov s15;
	v12 =	vadd.s32 v0, v8;
	v20 =	vld [tilespmem:s0+$0x0]  }
0x4d: {  	v11 =	vadd.f32 v14, v11;
	v14 =	vand.u32 $0x7E, v18;
	[tilespmem:v13+s20+$0x0] =	vst.idx.msk $0xffff, v10;
	v10 =	vld [tilespmem:s30+$0xFFFFFFF0]  }
0x4e: {  	v13 =	vadd.s32 v0, v14;
	v18 =	vld [tilespmem:s1+$0x50]  }
0x4f: {  	[tilespmem:v17+s20+$0x0] =	vst.idx.msk $0xffff, v11;
	v11 =	vadd.f32 v19, v16;
	v16 =	vld [tilespmem:s0+$0x50];
	v17 =	vadd.s32 v3, v4;
	v4 =	vmov v8  }
0x50: {  	v8 =	vld [tilespmem:s1+$0xFFFFFF90]  }
0x51: {  	v19 =	vld [tilespmem:s0+$0xFFFFFF90];
	[tilespmem:v12+s20+$0x0] =	vst.idx.msk $0xffff, v11;
	v9 =	vadd.f32 v20, v9;
	v11 =	vadd.s32 v1, v6  }
0x52: {  	v12 =	vld [tilespmem:s1+$0xFFFFFFD0];
	v7 =	vadd.f32 v10, v7  }
0x53: {  	v10 =	vadd.s32 v1, v15;
	v20 =	vld [tilespmem:s0+$0xFFFFFFD0];
	[tilespmem:v13+s20+$0x0] =	vst.idx.msk $0xffff, v9  }
0x54: {  	v9 =	vld [tilespmem:s1+$0x10];
	v13 =	vadd.f32 v16, v18;
	[tilespmem:v17+s20+$0x0] =	vst.idx.msk $0xffff, v7  }
0x55: {  	v7 =	vadd.s32 v1, v4;
	v16 =	vld [tilespmem:s0+$0x10]  }
0x56: {  	v8 =	vadd.f32 v19, v8;
	[tilespmem:v11+s20+$0x0] =	vst.idx.msk $0xffff, v13;
	v11 =	vld [tilespmem:s31+$0x30];
	s31 =	smov.u32 s1  }
0x57: {  	v13 =	vadd.s32 v1, v14;
	v17 =	vld [tilespmem:s1+$0x60]  }
0x58: {  	[tilespmem:v10+s20+$0x0] =	vst.idx.msk $0xffff, v8;
	v8 =	vadd.f32 v20, v12;
	v10 =	vld [tilespmem:s0+$0x60]  }
0x59: {  	v12 =	vld [tilespmem:s1+$0xFFFFFFA0]  }
0x5a: {  	v18 =	vld [tilespmem:s0+$0xFFFFFFA0];
	[tilespmem:v7+s20+$0x0] =	vst.idx.msk $0xffff, v8;
	v7 =	vadd.f32 v16, v9;
	v8 =	vadd.s32 v2, v6  }
0x5b: {  	v9 =	vld [tilespmem:s1+$0xFFFFFFE0]  }
0x5c: {  	v16 =	vadd.s32 v2, v15;
	v19 =	vld [tilespmem:s0+$0xFFFFFFE0];
	[tilespmem:v13+s20+$0x0] =	vst.idx.msk $0xffff, v7  }
0x5d: {  	v7 =	vld [tilespmem:s1+$0x20];
	v10 =	vadd.f32 v10, v17  }
0x5e: {  	v13 =	vadd.s32 v2, v4;
	v17 =	vld [tilespmem:s0+$0x20]  }
0x5f: {  	v12 =	vadd.f32 v18, v12;
	[tilespmem:v8+s20+$0x0] =	vst.idx.msk $0xffff, v10;
	v8 =	vld [tilespmem:s30+$0x30];
	s30 =	smov.u32 s0  }
0x60: {  	v18 =	vadd.s32 v2, v14;
	v20 =	vld [tilespmem:s1+$0x70]  }
0x61: {  	[tilespmem:v16+s20+$0x0] =	vst.idx.msk $0xffff, v12;
	v9 =	vadd.f32 v19, v9;
	v16 =	vld [tilespmem:s0+$0x70];
	v19 =	vadd.s32 v3, v5;
	v5 =	vmov v14  }
0x62: {  	v21 =	vld [tilespmem:s1+$0xFFFFFFB0]  }
0x63: {  	v22 =	vld [tilespmem:s0+$0xFFFFFFB0];
	[tilespmem:v13+s20+$0x0] =	vst.idx.msk $0xffff, v9;
	v9 =	vadd.f32 v17, v7;
	v17 =	vadd.s32 v3, v6  }
.Ltmp0:
0x64: {  	s1 =	sadd.s32 $0x100, s1;
	v7 =	vld [tilespmem:s31+$0xFFFFFFF0];
	v6 =	vadd.f32 v8, v11;
	(pc) =	sbr.rel @p0 .LBB2_3-.Ltmp0, $4  }
0x65: {  	s15 =	sadd.s32 $0x3, s14;
	s0 =	sadd.s32 $0x100, s0;
	v8 =	vadd.s32 v3, v15;
	v10 =	vld [tilespmem:s1+$0x40];
	[tilespmem:v18+s20+$0x0] =	vst.idx.msk $0xffff, v9  }
0x66: {  	v9 =	vmov s15;
	v12 =	vld [tilespmem:s0+$0x40];
	v16 =	vadd.f32 v16, v20;
	[tilespmem:v19+s20+$0x0] =	vst.idx.msk $0xffff, v6  }
0x67: {  	v6 =	vand.u32 $0x7F, v9;
	v11 =	vld [tilespmem:s1+$0xFFFFFF80]  }
0x68: {  	s14 =	sadd.s32 $0x4, s14;
	v15 =	vmov s13;
	v13 =	vadd.s32 v0, v6;
	v14 =	vld [tilespmem:s0+$0xFFFFFF80];
	v9 =	vadd.f32 v22, v21;
	[tilespmem:v17+s20+$0x0] =	vst.idx.msk $0xffff, v16  }
0x69: {  	v15 =	vand.u32 $0x7C, v15;
	s14 =	sadd.s32 $0x1, s13;
	v16 =	vld [tilespmem:s1+$0xFFFFFFC0]  }
0x6a: {  	v19 =	vld [tilespmem:s0+$0xFFFFFFC0];
	v17 =	vadd.s32 v0, v15;
	v18 =	vmov s14  }
0x6b: {  	s16 =	sadd.s32 $0x2, s13;
	v20 =	vld [tilespmem:s1+$0x0];
	v18 =	vand.u32 $0x7D, v18;
	v10 =	vadd.f32 v12, v10  }
0x6c: {  	v22 =	vld [tilespmem:s0+$0x0];
	v21 =	vmov s16;
	v62 =	vadd.s32 v0, v18  }
0x6d: {  	v28 =	vld [tilespmem:s30+$0xFFFFFFF0];
	v63 =	vand.u32 $0x7E, v21;
	v11 =	vadd.f32 v14, v11;
	[tilespmem:v13+s20+$0x0] =	vst.idx.msk $0xffff, v10  }
0x6e: {  	v29 =	vadd.s32 v0, v63;
	v30 =	vld [tilespmem:s1+$0x50]  }
0x6f: {  	v31 =	vadd.f32 v19, v16;
	v32 =	vld [tilespmem:s0+$0x50];
	[tilespmem:v17+s20+$0x0] =	vst.idx.msk $0xffff, v11  }
0x70: {  	v17 =	vld [tilespmem:s1+$0xFFFFFF90]  }
0x71: {  	v35 =	vadd.s32 v1, v6;
	v34 =	vadd.f32 v22, v20;
	v33 =	vld [tilespmem:s0+$0xFFFFFF90];
	[tilespmem:v62+s20+$0x0] =	vst.idx.msk $0xffff, v31  }
0x72: {  	v36 =	vld [tilespmem:s1+$0xFFFFFFD0]  }
0x73: {  	v37 =	vadd.s32 v1, v15;
	[tilespmem:v29+s20+$0x0] =	vst.idx.msk $0xffff, v34;
	v23 =	vld [tilespmem:s0+$0xFFFFFFD0]  }
0x74: {  	v11 =	vld [tilespmem:s1+$0x10];
	v38 =	vadd.f32 v32, v30  }
0x75: {  	v39 =	vadd.s32 v1, v18;
	v40 =	vld [tilespmem:s0+$0x10]  }
0x76: {  	v41 =	vld [tilespmem:s31+$0x30];
	v17 =	vadd.f32 v33, v17;
	[tilespmem:v35+s20+$0x0] =	vst.idx.msk $0xffff, v38  }
0x77: {  	v42 =	vadd.s32 v1, v63;
	v43 =	vld [tilespmem:s1+$0x60]  }
0x78: {  	v45 =	vld [tilespmem:s0+$0x60];
	[tilespmem:v37+s20+$0x0] =	vst.idx.msk $0xffff, v17;
	v44 =	vadd.f32 v23, v36  }
0x79: {  	v22 =	vld [tilespmem:s1+$0xFFFFFFA0]  }
0x7a: {  	v47 =	vadd.s32 v2, v6;
	v11 =	vadd.f32 v40, v11;
	v46 =	vld [tilespmem:s0+$0xFFFFFFA0];
	[tilespmem:v39+s20+$0x0] =	vst.idx.msk $0xffff, v44  }
0x7b: {  	v17 =	vld [tilespmem:s1+$0xFFFFFFE0]  }
0x7c: {  	v48 =	vadd.s32 v2, v15;
	[tilespmem:v42+s20+$0x0] =	vst.idx.msk $0xffff, v11;
	v24 =	vld [tilespmem:s0+$0xFFFFFFE0]  }
0x7d: {  	v11 =	vld [tilespmem:s1+$0x20];
	v49 =	vadd.f32 v45, v43  }
0x7e: {  	v50 =	vadd.s32 v2, v18;
	v51 =	vld [tilespmem:s0+$0x20]  }
0x7f: {  	v52 =	vld [tilespmem:s30+$0x30];
	v22 =	vadd.f32 v46, v22;
	[tilespmem:v47+s20+$0x0] =	vst.idx.msk $0xffff, v49  }
0x80: {  	v53 =	vadd.s32 v2, v63;
	v54 =	vld [tilespmem:s1+$0x70]  }
0x81: {  	v55 =	vld [tilespmem:s0+$0x70];
	[tilespmem:v48+s20+$0x0] =	vst.idx.msk $0xffff, v22;
	v17 =	vadd.f32 v24, v17  }
0x82: {  	v22 =	vld [tilespmem:s1+$0xFFFFFFB0]  }
0x83: {  	v11 =	vadd.f32 v51, v11;
	v56 =	vld [tilespmem:s0+$0xFFFFFFB0];
	[tilespmem:v50+s20+$0x0] =	vst.idx.msk $0xffff, v17  }
0x84: {  	v4 =	vadd.s32 v3, v4;
	v19 =	vld [tilespmem:s1+$0xFFFFFFF0]  }
0x85: {  	v5 =	vadd.s32 v3, v5;
	[tilespmem:v53+s20+$0x0] =	vst.idx.msk $0xffff, v11;
	v57 =	vld [tilespmem:s0+$0xFFFFFFF0]  }
0x86: {  	v58 =	vadd.s32 v3, v6;
	v16 =	vld [tilespmem:s1+$0x30]  }
0x87: {  	v59 =	vadd.s32 v3, v15;
	v7 =	vadd.f32 v28, v7;
	v60 =	vld [tilespmem:s0+$0x30]  }
0x88: {  	[tilespmem:v8+s20+$0x0] =	vst.idx.msk $0xffff, v9;
	v61 =	vadd.f32 v52, v41;
	v62 =	vadd.s32 v3, v18  }
0x89: {  	v63 =	vadd.s32 v3, v63;
	[tilespmem:v4+s20+$0x0] =	vst.idx.msk $0xffff, v7;
	v4 =	vadd.f32 v55, v54  }
0x8a: {  	[tilespmem:v5+s20+$0x0] =	vst.idx.msk $0xffff, v61;
	v5 =	vadd.f32 v56, v22  }
0x8b: {  	[tilespmem:v58+s20+$0x0] =	vst.idx.msk $0xffff, v4;
	v4 =	vadd.f32 v57, v19  }
0x8c: {  	[tilespmem:v59+s20+$0x0] =	vst.idx.msk $0xffff, v5;
	v5 =	vadd.f32 v60, v16  }
0x8d: {  	p0 =	seq.s32 s28, $0x63;
	[tilespmem:v62+s20+$0x0] =	vst.idx.msk $0xffff, v4  }
0x8e: {  	s13 =	simm.s32 @!p0 $0xC800;
	s0 =	sadd.s32 @!p0 $0x100, s29;
	s1 =	simm.s32 @!p0 $0x80;
	[tilespmem:v63+s20+$0x0] =	vst.idx.msk $0xffff, v5  }
0x8f: {  	[tilespmem:s13], [sflag:$0x1] =	stream.indirect.gather @!p0 [hbm4b:s4+s1], $0x40, s0, s1, $0xb8;
	[tilespmem:$0x18C00] =	vst v63  }
0x90: {  	s0 =	sadd.s32 @!p0 $0x6500, s29;
	s13 =	simm.s32 @!p0 $0x10800  }
0x91: {  	[tilespmem:s13], [sflag:$0x3] =	stream.indirect.gather @!p0 [hbm4b:s4+s1], $0x40, s0, s1, $0xb8;
	[tilespmem:$0x18C00] =	vst v63  }
0x92: {  	s1 =	sshll.u32 s28, $0x10  }
0x93: {  	s30 =	sor.u32 s7, s1  }
0x94: {  	s13 =	simm.s32 $0x14800;
	s1 =	sadd.s32 s2, s30  }
0x95: {  	[hbm4b:s1+s3] =	stream.linear.scatter [tilespmem:s13], [sflag:$0x5], $0x80, $0x38;
	[tilespmem:$0x18C00] =	vst v63  }
0x96: {  	s14 =	simm.s32 $0x14888;
	s15 =	sadd.s32 $0x10, s1  }
0x97: {  	[hbm4b:s15+s3] =	stream.linear.scatter [tilespmem:s14], [sflag:$0x5], $0x80, $0x38;
	[tilespmem:$0x18C00] =	vst v63  }
0x98: {  	s16 =	simm.s32 $0x14910;
	s0 =	simm.s32 $0x440;
	s31 =	sadd.s32 $0x20, s1  }
0x99: {  	[hbm4b:s31+s3] =	stream.linear.scatter [tilespmem:s16], [sflag:$0x5], $0x80, $0x38;
	[tilespmem:$0x18C00] =	vst v63  }
0x9a: {  	s13 =	simm.s32 $0x2200;
	s14 =	simm.s32 $0x14998;
	s15 =	sadd.s32 $0x30, s1  }
0x9b: {  	[hbm4b:s15+s3] =	stream.linear.scatter [tilespmem:s14], [sflag:$0x5], $0x80, $0x38;
	[tilespmem:$0x18C00] =	vst v63  }
0x9c: {  	s16 =	simm.s32 $0x14A20;
	s31 =	sadd.s32 $0x40, s1;
	s14 =	simm.s32 $0x14AA8  }
0x9d: {  	[hbm4b:s31+s3] =	stream.linear.scatter [tilespmem:s16], [sflag:$0x5], $0x80, $0x38;
	[tilespmem:$0x18C00] =	vst v63  }
0x9e: {  	s15 =	sadd.s32 $0x50, s1;
	s16 =	simm.s32 $0x14B30;
	s31 =	sadd.s32 $0x60, s1  }
0x9f: {  	[hbm4b:s15+s3] =	stream.linear.scatter [tilespmem:s14], [sflag:$0x5], $0x80, $0x38;
	[tilespmem:$0x18C00] =	vst v63  }
0xa0: {  	s14 =	simm.s32 $0x14BB8;
	s15 =	sadd.s32 $0x70, s1;
	s1 =	sadd.s32 $0x1000, s1  }
0xa1: {  	[hbm4b:s31+s3] =	stream.linear.scatter [tilespmem:s16], [sflag:$0x5], $0x80, $0x38;
	[tilespmem:$0x18C00] =	vst v63  }
.LBB2_5:
0xa2: {  	[hbm4b:s15+s3] =	stream.linear.scatter [tilespmem:s14], [sflag:$0x5], $0x80, $0x38;
	[tilespmem:$0x18C00] =	vst v63  }
0xa3: {  	s14 =	smov.u32 s0;
	s0 =	smov.u32 s13  }
0xa4: {  	s31 =	sadd.s32 $0x1100, s13;
	s0 =	sshra.s32 s0, $0x2;
	s15 =	sadd.s32 $0x14800, s14  }
0xa5: {  	[hbm4b:s1+s3] =	stream.linear.scatter [tilespmem:s15], [sflag:$0x5], $0x80, $0x38;
	[tilespmem:$0x18C00] =	vst v63  }
0xa6: {  	p2 =	sne.s32 s13, $0x7700;
	s13 =	sadd.s32 $0x14888, s14;
	s15 =	sadd.s32 $0x10, s1  }
0xa7: {  	[hbm4b:s15+s3] =	stream.linear.scatter [tilespmem:s13], [sflag:$0x5], $0x80, $0x38;
	[tilespmem:$0x18C00] =	vst v63  }
0xa8: {  	s13 =	sadd.s32 $0x14910, s14;
	s15 =	sadd.s32 $0x20, s1  }
0xa9: {  	[hbm4b:s15+s3] =	stream.linear.scatter [tilespmem:s13], [sflag:$0x5], $0x80, $0x38;
	[tilespmem:$0x18C00] =	vst v63  }
0xaa: {  	s13 =	sadd.s32 $0x14998, s14;
	s15 =	sadd.s32 $0x30, s1  }
0xab: {  	[hbm4b:s15+s3] =	stream.linear.scatter [tilespmem:s13], [sflag:$0x5], $0x80, $0x38;
	[tilespmem:$0x18C00] =	vst v63  }
0xac: {  	s13 =	sadd.s32 $0x14A20, s14;
	s15 =	sadd.s32 $0x40, s1  }
0xad: {  	[hbm4b:s15+s3] =	stream.linear.scatter [tilespmem:s13], [sflag:$0x5], $0x80, $0x38;
	[tilespmem:$0x18C00] =	vst v63  }
.Ltmp1:
0xae: {  	s13 =	sadd.s32 $0x14AA8, s14;
	s15 =	sadd.s32 $0x50, s1;
	(pc) =	sbr.rel @p2 .LBB2_5-.Ltmp1, $4  }
0xaf: {  	[hbm4b:s15+s3] =	stream.linear.scatter [tilespmem:s13], [sflag:$0x5], $0x80, $0x38;
	[tilespmem:$0x18C00] =	vst v63  }
0xb0: {  	s13 =	sadd.s32 $0x14B30, s14;
	s15 =	sadd.s32 $0x60, s1;
	s14 =	sadd.s32 $0x14BB8, s14  }
0xb1: {  	[hbm4b:s15+s3] =	stream.linear.scatter [tilespmem:s13], [sflag:$0x5], $0x80, $0x38;
	[tilespmem:$0x18C00] =	vst v63  }
0xb2: {  	s15 =	sadd.s32 $0x70, s1;
	s1 =	sadd.s32 $0x1000, s1;
	s13 =	smov.u32 s31  }
0xb3: {  	[hbm4b:s15+s3] =	stream.linear.scatter [tilespmem:s14], [sflag:$0x5], $0x80, $0x38;
	[tilespmem:$0x18C00] =	vst v63  }
0xb4: {  	s13 =	sadd.s32 $0x14800, s0  }
0xb5: {  	[hbm4b:s1+s3] =	stream.linear.scatter [tilespmem:s13], [sflag:$0x5], $0x80, $0x38;
	[tilespmem:$0x18C00] =	vst v63  }
0xb6: {  	s15 =	sadd.s32 $0x14888, s0;
	s16 =	sadd.s32 $0x10, s1  }
0xb7: {  	[hbm4b:s16+s3] =	stream.linear.scatter [tilespmem:s15], [sflag:$0x5], $0x80, $0x38;
	[tilespmem:$0x18C00] =	vst v63  }
0xb8: {  	s15 =	sadd.s32 $0x14910, s0;
	s16 =	sadd.s32 $0x20, s1  }
0xb9: {  	[hbm4b:s16+s3] =	stream.linear.scatter [tilespmem:s15], [sflag:$0x5], $0x80, $0x38;
	[tilespmem:$0x18C00] =	vst v63  }
0xba: {  	s15 =	sadd.s32 $0x14998, s0;
	s16 =	sadd.s32 $0x30, s1  }
0xbb: {  	[hbm4b:s16+s3] =	stream.linear.scatter [tilespmem:s15], [sflag:$0x5], $0x80, $0x38;
	[tilespmem:$0x18C00] =	vst v63  }
0xbc: {  	s15 =	sadd.s32 $0x14A20, s0;
	s16 =	sadd.s32 $0x40, s1  }
0xbd: {  	[hbm4b:s16+s3] =	stream.linear.scatter [tilespmem:s15], [sflag:$0x5], $0x80, $0x38;
	[tilespmem:$0x18C00] =	vst v63  }
0xbe: {  	s15 =	sadd.s32 $0x14AA8, s0;
	s16 =	sadd.s32 $0x50, s1  }
0xbf: {  	[hbm4b:s16+s3] =	stream.linear.scatter [tilespmem:s15], [sflag:$0x5], $0x80, $0x38;
	[tilespmem:$0x18C00] =	vst v63  }
0xc0: {  	s15 =	sadd.s32 $0x14B30, s0;
	s16 =	sadd.s32 $0x60, s1  }
0xc1: {  	[hbm4b:s16+s3] =	stream.linear.scatter [tilespmem:s15], [sflag:$0x5], $0x80, $0x38;
	[tilespmem:$0x18C00] =	vst v63  }
0xc2: {  	s14 =	sadd.s32 $0x14BB8, s0;
	s15 =	sadd.s32 $0x70, s1  }
0xc3: {  	[hbm4b:s15+s3] =	stream.linear.scatter [tilespmem:s14], [sflag:$0x5], $0x80, $0x38;
	[tilespmem:$0x18C00] =	vst v63  }
0xc4: {  	_ =	swait.ge [sflag:s21], $0x2000  }
0xc5: {  	[sflag:s21] =	ssyncset.done $0x0  }
0xc6: {  	[sflag:s21] =	ssyncadd.s32 $0xFFFFE000  }
0xc7: {  	_ =	swait.ge [sflag:s22], $0x2000  }
0xc8: {  	[sflag:s22] =	ssyncset.done $0x0  }
0xc9: {  	s0 =	simm.s32 @!p1 $0x6;
	[sflag:s22] =	ssyncadd.s32 $0xFFFFE000  }
0xca: {  	_ =	swait.ge @!p1 [sflag:s0], $0x2000  }
0xcb: {  	[sflag:s0] =	ssyncset.done @!p1 $0x0  }
0xcc: {  	s1 =	simm.s32 $0xE880;
	[sflag:s0] =	ssyncadd.s32 @!p1 $0xFFFFE000  }
0xcd: {  	s31 =	simm.s32 $0x12880;
	s16 =	simm.s32 $0x3;
	v5 =	vld [tilespmem:s1+$0x40]  }
0xce: {  	v4 =	vmov s16;
	v6 =	vld [tilespmem:s31+$0x40]  }
0xcf: {  	s13 =	simm.s32 $0x0;
	v8 =	vand.u32 $0x7F, v4;
	v7 =	vld [tilespmem:s1+$0xFFFFFF80]  }
0xd0: {  	v4 =	vmov s13;
	v10 =	vadd.s32 v0, v8;
	v9 =	vld [tilespmem:s31+$0xFFFFFF80]  }
0xd1: {  	s14 =	simm.s32 $0x1;
	v11 =	vand.u32 $0x7C, v4;
	v12 =	vld [tilespmem:s1+$0xFFFFFFC0]  }
0xd2: {  	v4 =	vmov s14;
	v13 =	vadd.s32 v0, v11;
	v14 =	vld [tilespmem:s31+$0xFFFFFFC0]  }
0xd3: {  	v4 =	vand.u32 $0x7D, v4;
	v5 =	vadd.f32 v6, v5  }
0xd4: {  	s15 =	simm.s32 $0x2;
	v15 =	vadd.s32 v0, v4;
	v17 =	vld [tilespmem:s31+$0x0]  }
0xd5: {  	v16 =	vmov s15;
	v6 =	vld [tilespmem:s1+$0x0];
	v7 =	vadd.f32 v9, v7;
	[tilespmem:v10+s23+$0x0] =	vst.idx.msk $0xffff, v5  }
0xd6: {  	v5 =	vand.u32 $0x7E, v16;
	v9 =	vld [tilespmem:s1+$0x50]  }
0xd7: {  	[tilespmem:v13+s23+$0x0] =	vst.idx.msk $0xffff, v7;
	v7 =	vadd.f32 v14, v12;
	v10 =	vadd.s32 v0, v5;
	v12 =	vld [tilespmem:s31+$0x50]  }
0xd8: {  	v13 =	vld [tilespmem:s1+$0xFFFFFF90]  }
0xd9: {  	v14 =	vld [tilespmem:s31+$0xFFFFFF90];
	[tilespmem:v15+s23+$0x0] =	vst.idx.msk $0xffff, v7;
	v7 =	vadd.s32 v1, v8  }
0xda: {  	v6 =	vadd.f32 v17, v6;
	v15 =	vld [tilespmem:s1+$0xFFFFFFD0]  }
0xdb: {  	v16 =	vadd.s32 v1, v11;
	v17 =	vld [tilespmem:s31+$0xFFFFFFD0]  }
0xdc: {  	[tilespmem:v10+s23+$0x0] =	vst.idx.msk $0xffff, v6;
	v6 =	vadd.f32 v12, v9  }
0xdd: {  	v10 =	vadd.s32 v1, v4;
	v9 =	vld [tilespmem:s1+$0x10]  }
0xde: {  	v13 =	vadd.f32 v14, v13;
	v12 =	vld [tilespmem:s31+$0x10];
	[tilespmem:v7+s23+$0x0] =	vst.idx.msk $0xffff, v6  }
0xdf: {  	v6 =	vld [tilespmem:s1+$0x60]  }
0xe0: {  	v7 =	vadd.s32 v1, v5;
	[tilespmem:v16+s23+$0x0] =	vst.idx.msk $0xffff, v13;
	v13 =	vadd.f32 v17, v15;
	v14 =	vld [tilespmem:s31+$0x60]  }
0xe1: {  	v15 =	vld [tilespmem:s1+$0xFFFFFFA0]  }
0xe2: {  	v16 =	vld [tilespmem:s31+$0xFFFFFFA0];
	[tilespmem:v10+s23+$0x0] =	vst.idx.msk $0xffff, v13;
	v10 =	vadd.s32 v2, v8  }
0xe3: {  	v9 =	vadd.f32 v12, v9  }
0xe4: {  	v13 =	vadd.s32 v2, v11;
	v12 =	vld [tilespmem:s1+$0xFFFFFFE0]  }
0xe5: {  	v17 =	vld [tilespmem:s31+$0xFFFFFFE0];
	[tilespmem:v7+s23+$0x0] =	vst.idx.msk $0xffff, v9;
	v6 =	vadd.f32 v14, v6  }
0xe6: {  	v9 =	vld [tilespmem:s1+$0x20]  }
0xe7: {  	v15 =	vadd.f32 v16, v15;
	v14 =	vld [tilespmem:s31+$0x20];
	[tilespmem:v10+s23+$0x0] =	vst.idx.msk $0xffff, v6  }
0xe8: {  	v6 =	vld [tilespmem:s1+$0x70]  }
0xe9: {  	v7 =	vadd.s32 v2, v4;
	[tilespmem:v13+s23+$0x0] =	vst.idx.msk $0xffff, v15;
	v13 =	vld [tilespmem:s31+$0x70]  }
0xea: {  	v15 =	vadd.s32 v2, v5;
	v16 =	vld [tilespmem:s1+$0xFFFFFFB0]  }
0xeb: {  	v18 =	vadd.s32 v3, v8;
	s0 =	simm.s32 $0xE980;
	v10 =	vadd.f32 v17, v12;
	v17 =	vld [tilespmem:s31+$0xFFFFFFB0]  }
0xec: {  	s13 =	simm.s32 $0x12980;
	v8 =	vadd.s32 v3, v11;
	v11 =	vld [tilespmem:s0+$0xFFFFFF80]  }
0xed: {  	s16 =	simm.s32 $0x7;
	v12 =	vld [tilespmem:s13+$0x40];
	v9 =	vadd.f32 v14, v9  }
0xee: {  	[tilespmem:v7+s23+$0x0] =	vst.idx.msk $0xffff, v10;
	v10 =	vld [tilespmem:s0+$0x40];
	v14 =	vmov s16;
	v19 =	vadd.f32 v13, v6  }
0xef: {  	s14 =	simm.s32 $0x4;
	v7 =	vld [tilespmem:s1+$0xFFFFFFF0];
	[tilespmem:v15+s23+$0x0] =	vst.idx.msk $0xffff, v9;
	v6 =	vand.u32 $0x7F, v14  }
0xf0: {  	s15 =	simm.s32 $0x8;
	v15 =	vmov s14;
	v14 =	vld [tilespmem:s13+$0xFFFFFF80];
	v9 =	vadd.f32 v17, v16;
	v13 =	vadd.s32 v0, v6;
	[tilespmem:v18+s23+$0x0] =	vst.idx.msk $0xffff, v19  }
.LBB2_7:
0xf1: {  	p1 =	slt.u32 s15, $0x7C;
	v15 =	vand.u32 $0x7C, v15;
	s16 =	sadd.s32 $0x1, s14;
	v16 =	vld [tilespmem:s0+$0xFFFFFFC0]  }
0xf2: {  	v17 =	vadd.s32 v0, v15;
	v18 =	vmov s16;
	v19 =	vld [tilespmem:s13+$0xFFFFFFC0];
	[tilespmem:v8+s23+$0x0] =	vst.idx.msk $0xffff, v9  }
0xf3: {  	s16 =	sadd.s32 $0x2, s14;
	s14 =	smov.u32 s15;
	v8 =	vand.u32 $0x7D, v18;
	v9 =	vld [tilespmem:s0+$0x0];
	v10 =	vadd.f32 v12, v10  }
0xf4: {  	v18 =	vmov s16;
	v12 =	vadd.s32 v0, v8;
	v20 =	vld [tilespmem:s13+$0x0]  }
0xf5: {  	v11 =	vadd.f32 v14, v11;
	v14 =	vand.u32 $0x7E, v18;
	[tilespmem:v13+s23+$0x0] =	vst.idx.msk $0xffff, v10;
	v10 =	vld [tilespmem:s31+$0xFFFFFFF0]  }
0xf6: {  	v13 =	vadd.s32 v0, v14;
	v18 =	vld [tilespmem:s0+$0x50]  }
0xf7: {  	[tilespmem:v17+s23+$0x0] =	vst.idx.msk $0xffff, v11;
	v11 =	vadd.f32 v19, v16;
	v16 =	vld [tilespmem:s13+$0x50];
	v17 =	vadd.s32 v3, v4;
	v4 =	vmov v8  }
0xf8: {  	v8 =	vld [tilespmem:s0+$0xFFFFFF90]  }
0xf9: {  	v19 =	vld [tilespmem:s13+$0xFFFFFF90];
	[tilespmem:v12+s23+$0x0] =	vst.idx.msk $0xffff, v11;
	v9 =	vadd.f32 v20, v9;
	v11 =	vadd.s32 v1, v6  }
0xfa: {  	v12 =	vld [tilespmem:s0+$0xFFFFFFD0];
	v7 =	vadd.f32 v10, v7  }
0xfb: {  	v10 =	vadd.s32 v1, v15;
	v20 =	vld [tilespmem:s13+$0xFFFFFFD0];
	[tilespmem:v13+s23+$0x0] =	vst.idx.msk $0xffff, v9  }
0xfc: {  	v9 =	vld [tilespmem:s0+$0x10];
	v13 =	vadd.f32 v16, v18;
	[tilespmem:v17+s23+$0x0] =	vst.idx.msk $0xffff, v7  }
0xfd: {  	v7 =	vadd.s32 v1, v4;
	v16 =	vld [tilespmem:s13+$0x10]  }
0xfe: {  	v8 =	vadd.f32 v19, v8;
	[tilespmem:v11+s23+$0x0] =	vst.idx.msk $0xffff, v13;
	v11 =	vld [tilespmem:s1+$0x30];
	s1 =	smov.u32 s0  }
0xff: {  	v13 =	vadd.s32 v1, v14;
	v17 =	vld [tilespmem:s0+$0x60]  }
0x100: {  	[tilespmem:v10+s23+$0x0] =	vst.idx.msk $0xffff, v8;
	v8 =	vadd.f32 v20, v12;
	v10 =	vld [tilespmem:s13+$0x60]  }
0x101: {  	v12 =	vld [tilespmem:s0+$0xFFFFFFA0]  }
0x102: {  	v18 =	vld [tilespmem:s13+$0xFFFFFFA0];
	[tilespmem:v7+s23+$0x0] =	vst.idx.msk $0xffff, v8;
	v7 =	vadd.f32 v16, v9;
	v8 =	vadd.s32 v2, v6  }
0x103: {  	v9 =	vld [tilespmem:s0+$0xFFFFFFE0]  }
0x104: {  	v16 =	vadd.s32 v2, v15;
	v19 =	vld [tilespmem:s13+$0xFFFFFFE0];
	[tilespmem:v13+s23+$0x0] =	vst.idx.msk $0xffff, v7  }
0x105: {  	v7 =	vld [tilespmem:s0+$0x20];
	v10 =	vadd.f32 v10, v17  }
0x106: {  	v13 =	vadd.s32 v2, v4;
	v17 =	vld [tilespmem:s13+$0x20]  }
0x107: {  	v12 =	vadd.f32 v18, v12;
	[tilespmem:v8+s23+$0x0] =	vst.idx.msk $0xffff, v10;
	v8 =	vld [tilespmem:s31+$0x30];
	s31 =	smov.u32 s13  }
0x108: {  	v18 =	vadd.s32 v2, v14;
	v20 =	vld [tilespmem:s0+$0x70]  }
0x109: {  	[tilespmem:v16+s23+$0x0] =	vst.idx.msk $0xffff, v12;
	v9 =	vadd.f32 v19, v9;
	v16 =	vld [tilespmem:s13+$0x70];
	v19 =	vadd.s32 v3, v5;
	v5 =	vmov v14  }
0x10a: {  	v21 =	vld [tilespmem:s0+$0xFFFFFFB0]  }
0x10b: {  	v22 =	vld [tilespmem:s13+$0xFFFFFFB0];
	[tilespmem:v13+s23+$0x0] =	vst.idx.msk $0xffff, v9;
	v9 =	vadd.f32 v17, v7;
	v17 =	vadd.s32 v3, v6  }
.Ltmp2:
0x10c: {  	s0 =	sadd.s32 $0x100, s0;
	v7 =	vld [tilespmem:s1+$0xFFFFFFF0];
	v6 =	vadd.f32 v8, v11;
	(pc) =	sbr.rel @p1 .LBB2_7-.Ltmp2, $4  }
0x10d: {  	s16 =	sadd.s32 $0x3, s15;
	s13 =	sadd.s32 $0x100, s13;
	v8 =	vadd.s32 v3, v15;
	v10 =	vld [tilespmem:s0+$0x40];
	[tilespmem:v18+s23+$0x0] =	vst.idx.msk $0xffff, v9  }
0x10e: {  	v9 =	vmov s16;
	v12 =	vld [tilespmem:s13+$0x40];
	v16 =	vadd.f32 v16, v20;
	[tilespmem:v19+s23+$0x0] =	vst.idx.msk $0xffff, v6  }
0x10f: {  	v6 =	vand.u32 $0x7F, v9;
	v11 =	vld [tilespmem:s0+$0xFFFFFF80]  }
0x110: {  	s15 =	sadd.s32 $0x4, s15;
	v15 =	vmov s14;
	v13 =	vadd.s32 v0, v6;
	v14 =	vld [tilespmem:s13+$0xFFFFFF80];
	v9 =	vadd.f32 v22, v21;
	[tilespmem:v17+s23+$0x0] =	vst.idx.msk $0xffff, v16  }
0x111: {  	v15 =	vand.u32 $0x7C, v15;
	s15 =	sadd.s32 $0x1, s14;
	v16 =	vld [tilespmem:s0+$0xFFFFFFC0]  }
0x112: {  	v19 =	vld [tilespmem:s13+$0xFFFFFFC0];
	v17 =	vadd.s32 v0, v15;
	v18 =	vmov s15  }
0x113: {  	s16 =	sadd.s32 $0x2, s14;
	v20 =	vld [tilespmem:s0+$0x0];
	v18 =	vand.u32 $0x7D, v18;
	v10 =	vadd.f32 v12, v10  }
0x114: {  	v22 =	vld [tilespmem:s13+$0x0];
	v21 =	vmov s16;
	v62 =	vadd.s32 v0, v18  }
0x115: {  	v28 =	vld [tilespmem:s31+$0xFFFFFFF0];
	v63 =	vand.u32 $0x7E, v21;
	v11 =	vadd.f32 v14, v11;
	[tilespmem:v13+s23+$0x0] =	vst.idx.msk $0xffff, v10  }
0x116: {  	v29 =	vadd.s32 v0, v63;
	v30 =	vld [tilespmem:s0+$0x50]  }
0x117: {  	v31 =	vadd.f32 v19, v16;
	v32 =	vld [tilespmem:s13+$0x50];
	[tilespmem:v17+s23+$0x0] =	vst.idx.msk $0xffff, v11  }
0x118: {  	v17 =	vld [tilespmem:s0+$0xFFFFFF90]  }
0x119: {  	v35 =	vadd.s32 v1, v6;
	v34 =	vadd.f32 v22, v20;
	v33 =	vld [tilespmem:s13+$0xFFFFFF90];
	[tilespmem:v62+s23+$0x0] =	vst.idx.msk $0xffff, v31  }
0x11a: {  	v36 =	vld [tilespmem:s0+$0xFFFFFFD0]  }
0x11b: {  	v37 =	vadd.s32 v1, v15;
	[tilespmem:v29+s23+$0x0] =	vst.idx.msk $0xffff, v34;
	v23 =	vld [tilespmem:s13+$0xFFFFFFD0]  }
0x11c: {  	v11 =	vld [tilespmem:s0+$0x10];
	v38 =	vadd.f32 v32, v30  }
0x11d: {  	v39 =	vadd.s32 v1, v18;
	v40 =	vld [tilespmem:s13+$0x10]  }
0x11e: {  	v41 =	vld [tilespmem:s1+$0x30];
	v17 =	vadd.f32 v33, v17;
	[tilespmem:v35+s23+$0x0] =	vst.idx.msk $0xffff, v38  }
0x11f: {  	v42 =	vadd.s32 v1, v63;
	v43 =	vld [tilespmem:s0+$0x60]  }
0x120: {  	v45 =	vld [tilespmem:s13+$0x60];
	[tilespmem:v37+s23+$0x0] =	vst.idx.msk $0xffff, v17;
	v44 =	vadd.f32 v23, v36  }
0x121: {  	v22 =	vld [tilespmem:s0+$0xFFFFFFA0]  }
0x122: {  	v47 =	vadd.s32 v2, v6;
	v11 =	vadd.f32 v40, v11;
	v46 =	vld [tilespmem:s13+$0xFFFFFFA0];
	[tilespmem:v39+s23+$0x0] =	vst.idx.msk $0xffff, v44  }
0x123: {  	v17 =	vld [tilespmem:s0+$0xFFFFFFE0]  }
0x124: {  	v48 =	vadd.s32 v2, v15;
	[tilespmem:v42+s23+$0x0] =	vst.idx.msk $0xffff, v11;
	v24 =	vld [tilespmem:s13+$0xFFFFFFE0]  }
0x125: {  	v11 =	vld [tilespmem:s0+$0x20];
	v49 =	vadd.f32 v45, v43  }
0x126: {  	v50 =	vadd.s32 v2, v18;
	v51 =	vld [tilespmem:s13+$0x20]  }
0x127: {  	v52 =	vld [tilespmem:s31+$0x30];
	v22 =	vadd.f32 v46, v22;
	[tilespmem:v47+s23+$0x0] =	vst.idx.msk $0xffff, v49  }
0x128: {  	v53 =	vadd.s32 v2, v63;
	v54 =	vld [tilespmem:s0+$0x70]  }
0x129: {  	v55 =	vld [tilespmem:s13+$0x70];
	[tilespmem:v48+s23+$0x0] =	vst.idx.msk $0xffff, v22;
	v17 =	vadd.f32 v24, v17  }
0x12a: {  	v22 =	vld [tilespmem:s0+$0xFFFFFFB0]  }
0x12b: {  	v11 =	vadd.f32 v51, v11;
	v56 =	vld [tilespmem:s13+$0xFFFFFFB0];
	[tilespmem:v50+s23+$0x0] =	vst.idx.msk $0xffff, v17  }
0x12c: {  	v4 =	vadd.s32 v3, v4;
	v19 =	vld [tilespmem:s0+$0xFFFFFFF0]  }
0x12d: {  	v5 =	vadd.s32 v3, v5;
	[tilespmem:v53+s23+$0x0] =	vst.idx.msk $0xffff, v11;
	v57 =	vld [tilespmem:s13+$0xFFFFFFF0]  }
0x12e: {  	v58 =	vadd.s32 v3, v6;
	v16 =	vld [tilespmem:s0+$0x30]  }
0x12f: {  	v59 =	vadd.s32 v3, v15;
	v7 =	vadd.f32 v28, v7;
	v60 =	vld [tilespmem:s13+$0x30]  }
0x130: {  	[tilespmem:v8+s23+$0x0] =	vst.idx.msk $0xffff, v9;
	v61 =	vadd.f32 v52, v41;
	v62 =	vadd.s32 v3, v18  }
0x131: {  	v63 =	vadd.s32 v3, v63;
	[tilespmem:v4+s23+$0x0] =	vst.idx.msk $0xffff, v7;
	v4 =	vadd.f32 v55, v54  }
0x132: {  	[tilespmem:v5+s23+$0x0] =	vst.idx.msk $0xffff, v61;
	v5 =	vadd.f32 v56, v22  }
0x133: {  	[tilespmem:v58+s23+$0x0] =	vst.idx.msk $0xffff, v4;
	v4 =	vadd.f32 v57, v19  }
0x134: {  	[tilespmem:v59+s23+$0x0] =	vst.idx.msk $0xffff, v5;
	v5 =	vadd.f32 v60, v16  }
0x135: {  	[tilespmem:v62+s23+$0x0] =	vst.idx.msk $0xffff, v4  }
0x136: {  	s1 =	simm.s32 @!p0 $0x80;
	s0 =	sadd.s32 @!p0 $0x180, s29;
	s13 =	simm.s32 @!p0 $0xE800;
	[tilespmem:v63+s23+$0x0] =	vst.idx.msk $0xffff, v5  }
0x137: {  	[tilespmem:s13], [sflag:$0x2] =	stream.indirect.gather @!p0 [hbm4b:s4+s1], $0x40, s0, s1, $0xb8;
	[tilespmem:$0x18C00] =	vst v63  }
0x138: {  	s0 =	sadd.s32 @!p0 $0x6580, s29;
	s13 =	simm.s32 @!p0 $0x12800  }
0x139: {  	[tilespmem:s13], [sflag:$0x4] =	stream.indirect.gather @!p0 [hbm4b:s4+s1], $0x40, s0, s1, $0xb8;
	[tilespmem:$0x18C00] =	vst v63  }
0x13a: {  	s1 =	sadd.s32 s30, s8;
	s13 =	simm.s32 $0x16A00  }
0x13b: {  	[hbm4b:s1+s3] =	stream.linear.scatter [tilespmem:s13], [sflag:$0x6], $0x80, $0x38;
	[tilespmem:$0x18C00] =	vst v63  }
0x13c: {  	s14 =	simm.s32 $0x16A88;
	s15 =	sadd.s32 $0x10, s1  }
0x13d: {  	[hbm4b:s15+s3] =	stream.linear.scatter [tilespmem:s14], [sflag:$0x6], $0x80, $0x38;
	[tilespmem:$0x18C00] =	vst v63  }
0x13e: {  	s16 =	simm.s32 $0x16B10;
	s30 =	simm.s32 $0x16B98;
	s29 =	sadd.s32 $0x20, s1  }
0x13f: {  	[hbm4b:s29+s3] =	stream.linear.scatter [tilespmem:s16], [sflag:$0x6], $0x80, $0x38;
	[tilespmem:$0x18C00] =	vst v63  }
0x140: {  	s0 =	simm.s32 $0x440;
	s31 =	sadd.s32 $0x30, s1;
	s13 =	simm.s32 $0x2200  }
0x141: {  	[hbm4b:s31+s3] =	stream.linear.scatter [tilespmem:s30], [sflag:$0x6], $0x80, $0x38;
	[tilespmem:$0x18C00] =	vst v63  }
0x142: {  	s14 =	simm.s32 $0x16C20;
	s15 =	sadd.s32 $0x40, s1;
	s16 =	simm.s32 $0x16CA8  }
0x143: {  	[hbm4b:s15+s3] =	stream.linear.scatter [tilespmem:s14], [sflag:$0x6], $0x80, $0x38;
	[tilespmem:$0x18C00] =	vst v63  }
0x144: {  	s29 =	sadd.s32 $0x50, s1;
	s30 =	simm.s32 $0x16D30;
	s31 =	sadd.s32 $0x60, s1  }
0x145: {  	[hbm4b:s29+s3] =	stream.linear.scatter [tilespmem:s16], [sflag:$0x6], $0x80, $0x38;
	[tilespmem:$0x18C00] =	vst v63  }
0x146: {  	s14 =	simm.s32 $0x16DB8;
	s15 =	sadd.s32 $0x70, s1;
	s1 =	sadd.s32 $0x1000, s1  }
0x147: {  	[hbm4b:s31+s3] =	stream.linear.scatter [tilespmem:s30], [sflag:$0x6], $0x80, $0x38;
	[tilespmem:$0x18C00] =	vst v63  }
.LBB2_9:
0x148: {  	[hbm4b:s15+s3] =	stream.linear.scatter [tilespmem:s14], [sflag:$0x6], $0x80, $0x38;
	[tilespmem:$0x18C00] =	vst v63  }
0x149: {  	s14 =	smov.u32 s0;
	s0 =	smov.u32 s13  }
0x14a: {  	s16 =	sadd.s32 $0x1100, s13;
	s0 =	sshra.s32 s0, $0x2;
	s15 =	sadd.s32 $0x16A00, s14  }
0x14b: {  	[hbm4b:s1+s3] =	stream.linear.scatter [tilespmem:s15], [sflag:$0x6], $0x80, $0x38;
	[tilespmem:$0x18C00] =	vst v63  }
0x14c: {  	p0 =	sne.s32 s13, $0x7700;
	s13 =	sadd.s32 $0x16A88, s14;
	s15 =	sadd.s32 $0x10, s1  }
0x14d: {  	[hbm4b:s15+s3] =	stream.linear.scatter [tilespmem:s13], [sflag:$0x6], $0x80, $0x38;
	[tilespmem:$0x18C00] =	vst v63  }
0x14e: {  	s13 =	sadd.s32 $0x16B10, s14;
	s15 =	sadd.s32 $0x20, s1  }
0x14f: {  	[hbm4b:s15+s3] =	stream.linear.scatter [tilespmem:s13], [sflag:$0x6], $0x80, $0x38;
	[tilespmem:$0x18C00] =	vst v63  }
0x150: {  	s13 =	sadd.s32 $0x16B98, s14;
	s15 =	sadd.s32 $0x30, s1  }
0x151: {  	[hbm4b:s15+s3] =	stream.linear.scatter [tilespmem:s13], [sflag:$0x6], $0x80, $0x38;
	[tilespmem:$0x18C00] =	vst v63  }
0x152: {  	s13 =	sadd.s32 $0x16C20, s14;
	s15 =	sadd.s32 $0x40, s1  }
0x153: {  	[hbm4b:s15+s3] =	stream.linear.scatter [tilespmem:s13], [sflag:$0x6], $0x80, $0x38;
	[tilespmem:$0x18C00] =	vst v63  }
.Ltmp3:
0x154: {  	s13 =	sadd.s32 $0x16CA8, s14;
	s15 =	sadd.s32 $0x50, s1;
	(pc) =	sbr.rel @p0 .LBB2_9-.Ltmp3, $4  }
0x155: {  	[hbm4b:s15+s3] =	stream.linear.scatter [tilespmem:s13], [sflag:$0x6], $0x80, $0x38;
	[tilespmem:$0x18C00] =	vst v63  }
0x156: {  	s13 =	sadd.s32 $0x16D30, s14;
	s15 =	sadd.s32 $0x60, s1;
	s14 =	sadd.s32 $0x16DB8, s14  }
0x157: {  	[hbm4b:s15+s3] =	stream.linear.scatter [tilespmem:s13], [sflag:$0x6], $0x80, $0x38;
	[tilespmem:$0x18C00] =	vst v63  }
0x158: {  	s15 =	sadd.s32 $0x70, s1;
	s1 =	sadd.s32 $0x1000, s1;
	s13 =	smov.u32 s16  }
0x159: {  	[hbm4b:s15+s3] =	stream.linear.scatter [tilespmem:s14], [sflag:$0x6], $0x80, $0x38;
	[tilespmem:$0x18C00] =	vst v63  }
0x15a: {  	s13 =	sadd.s32 $0x16A00, s0  }
0x15b: {  	[hbm4b:s1+s3] =	stream.linear.scatter [tilespmem:s13], [sflag:$0x6], $0x80, $0x38;
	[tilespmem:$0x18C00] =	vst v63  }
0x15c: {  	s30 =	sadd.s32 $0x16A88, s0;
	s31 =	sadd.s32 $0x10, s1  }
0x15d: {  	[hbm4b:s31+s3] =	stream.linear.scatter [tilespmem:s30], [sflag:$0x6], $0x80, $0x38;
	[tilespmem:$0x18C00] =	vst v63  }
0x15e: {  	s14 =	sadd.s32 $0x16B10, s0;
	s15 =	sadd.s32 $0x20, s1  }
0x15f: {  	[hbm4b:s15+s3] =	stream.linear.scatter [tilespmem:s14], [sflag:$0x6], $0x80, $0x38;
	[tilespmem:$0x18C00] =	vst v63  }
0x160: {  	s16 =	sadd.s32 $0x16B98, s0;
	s29 =	sadd.s32 $0x30, s1  }
0x161: {  	[hbm4b:s29+s3] =	stream.linear.scatter [tilespmem:s16], [sflag:$0x6], $0x80, $0x38;
	[tilespmem:$0x18C00] =	vst v63  }
0x162: {  	s28 =	sadd.s32 $0x1, s28;
	s30 =	sadd.s32 $0x16C20, s0;
	s31 =	sadd.s32 $0x40, s1  }
0x163: {  	[hbm4b:s31+s3] =	stream.linear.scatter [tilespmem:s30], [sflag:$0x6], $0x80, $0x38;
	[tilespmem:$0x18C00] =	vst v63  }
0x164: {  	p0 =	sne.s32 s28, $0x64;
	s14 =	sadd.s32 $0x16CA8, s0;
	s15 =	sadd.s32 $0x50, s1  }
0x165: {  	[hbm4b:s15+s3] =	stream.linear.scatter [tilespmem:s14], [sflag:$0x6], $0x80, $0x38;
	[tilespmem:$0x18C00] =	vst v63  }
.Ltmp4:
0x166: {  	_ = 	snop;
	(pc) =	sbr.rel @p0 .LBB2_2-.Ltmp4, $4  }
0x167: {  	s16 =	sadd.s32 $0x16D30, s0;
	s29 =	sadd.s32 $0x60, s1  }
0x168: {  	[hbm4b:s29+s3] =	stream.linear.scatter [tilespmem:s16], [sflag:$0x6], $0x80, $0x38;
	[tilespmem:$0x18C00] =	vst v63  }
0x169: {  	s30 =	sadd.s32 $0x16DB8, s0;
	s31 =	sadd.s32 $0x70, s1  }
0x16a: {  	[hbm4b:s31+s3] =	stream.linear.scatter [tilespmem:s30], [sflag:$0x6], $0x80, $0x38;
	[tilespmem:$0x18C00] =	vst v63  }
0x16b: {  	s26 =	sadd.s32 $0x1, s26  }
0x16c: {  	_ =	swait.ge [sflag:s24], $0x2000;
	p0 =	sne.s32 s26, s9  }
.Ltmp5:
0x16d: {  	[sflag:s24] =	ssyncset.done $0x0;
	(pc) =	sbr.rel @p0 .LBB2_1-.Ltmp5, $4  }
0x16e: {  	[sflag:s24] =	ssyncadd.s32 $0xFFFFE000  }
0x16f: {  	_ =	swait.ge [sflag:s25], $0x2000  }
0x170: {  	[sflag:s25] =	ssyncset.done $0x0  }
0x171: {  	[sflag:s25] =	ssyncadd.s32 $0xFFFFE000  }
0x172: {  	_ =	sfence.sel $0x180000  }
0x173: {  	[bflag:$0x0] =	sbarrier.arrive $0xFFFF  }
0x174: {  	_ =	strace $0x90000047  }
0x175: {  	s0 =	stileid.u32;
	[bflag:$0x2] =	sbarrier.arrive $0xFFFF  }
0x176: {  	p0 =	sne.s32 s0, $0x0;
	s0 =	rddreg [dreg:$0x2]  }
0x177: {  	s0 =	sadd.s32 @!p0 $0x100000, s0  }
0x178: {  	[sflag:s0] =	ssyncadd.tile.s32 @!p0 $0x1;
	_ =	shalt  }
.Lfunc_end2:
_tile_overlayer_lowered:
.L_overlay_start_2:
0x179: {  	(tag) =	ssettag $0x2  }
0x17a: {  	s0 =	rddreg [dreg:$0x0];
	s2 =	stileid.u32  }
0x17b: {  	s1 =	rddreg [dreg:$0x1];
	p0 =	sne.s32 s2, $0x0  }
0x17c: {  	s3 =	rddreg [dreg:$0x2];
	[bflag:$0x3] =	sbarrier.arrive $0xFFFF;
	s2 =	simm.s32 @!p0 $0x1C07  }
0x17d: {  	[timem:s3], [sflag:s2] =	dma.local @!p0 [hbm:s0], s1  }
0x17e: {  	s0 =	simm.s32 @!p0 $0x7  }
0x17f: {  	_ =	swait.ge @!p0 [sflag:s0], s1  }
0x180: {  	s1 =	ssub.s32 @!p0 $0x0, s1;
	[sflag:s0] =	ssyncset.done @!p0 $0x0  }
0x181: {  	[sflag:s0] =	ssyncadd.s32 @!p0 s1  }
0x182: {  	[bflag:$0x3] =	sbarrier.arrive $0xFFFF  }
0x183: {  	_ =	shalt  }

</sc_bundles>
